<compile_context>
chip_gen: v7x
topology: tpu7x:2x2x1
jax: 0.10.2.dev20260603
libtpu: 0.0.44.dev20260713+nightly
codegen_flags: <defaults>
</compile_context>

<pallas_src>
import functools

import jax
import jax.numpy as jnp
from jax import lax
from jax.experimental import pallas as pl
from jax.experimental.pallas import tpu as pltpu
from jax.experimental.pallas import tpu_sc as plsc

VOCAB = 1000000
EMBED = 32
HIDDEN = 128
NUM_CLASSES = 10
BATCH = 16384
SEQ = 200

NC = 2
NS = 16
NW = NC * NS
ROWS_PER_W = BATCH // NW
CB = 4
IDX_PER_STEP = CB * SEQ
G = 800
NG = IDX_PER_STEP // G
STEPS = ROWS_PER_W // CB


PAIRS = STEPS // 2


def _pool_body(x_hbm, emb_hbm, out_hbm, idx_v, rows_v, out_v, sem0, sem1):
    wid = lax.axis_index("s") * NC + lax.axis_index("c")
    base_row = wid * ROWS_PER_W
    zero = jnp.zeros((16,), jnp.float32)
    inv = jnp.float32(1.0 / SEQ)
    sems = (sem0, sem1)

    def issue(slot, i_step):
        idx_off = (base_row + i_step * CB) * SEQ
        pltpu.sync_copy(x_hbm.at[pl.ds(idx_off, IDX_PER_STEP)], idx_v.at[slot])
        for g in range(NG):
            pltpu.async_copy(
                emb_hbm.at[idx_v.at[slot, pl.ds(g * G, G)]],
                rows_v.at[slot, pl.ds(g * G, G)],
                sems[slot],
            )

    def drain(slot):
        for g in range(NG):
            pltpu.make_async_copy(
                emb_hbm.at[idx_v.at[slot, pl.ds(g * G, G)]],
                rows_v.at[slot, pl.ds(g * G, G)],
                sems[slot],
            ).wait()

    def reduce(slot, i_step):
        def red(j, accs):
            out = []
            for r in range(CB):
                a0, a1 = accs[2 * r], accs[2 * r + 1]
                j2 = 2 * j
                a0 = a0 + rows_v[slot, r * SEQ + j2, pl.ds(0, 16)]
                a1 = a1 + rows_v[slot, r * SEQ + j2, pl.ds(16, 16)]
                a0 = a0 + rows_v[slot, r * SEQ + j2 + 1, pl.ds(0, 16)]
                a1 = a1 + rows_v[slot, r * SEQ + j2 + 1, pl.ds(16, 16)]
                out.append(a0)
                out.append(a1)
            return tuple(out)

        accs = lax.fori_loop(0, SEQ // 2, red, (zero,) * (2 * CB))
        for r in range(CB):
            obase = (i_step * CB + r) * EMBED
            out_v[pl.ds(obase, 16)] = accs[2 * r] * inv
            out_v[pl.ds(obase + 16, 16)] = accs[2 * r + 1] * inv

    issue(0, 0)

    def pair(k, carry):
        issue(1, 2 * k + 1)
        drain(0)
        reduce(0, 2 * k)

        @pl.when(k < PAIRS - 1)
        def _():
            issue(0, 2 * k + 2)

        drain(1)
        reduce(1, 2 * k + 1)
        return carry

    lax.fori_loop(0, PAIRS, pair, 0)
    pltpu.sync_copy(
        out_v, out_hbm.at[pl.ds(base_row * EMBED, ROWS_PER_W * EMBED)]
    )


_pool = functools.partial(
    pl.kernel,
    out_type=jax.ShapeDtypeStruct((BATCH * EMBED,), jnp.float32),
    mesh=plsc.VectorSubcoreMesh(core_axis_name="c", subcore_axis_name="s"),
    scratch_types=[
        pltpu.VMEM((2, IDX_PER_STEP), jnp.int32),
        pltpu.VMEM((2, IDX_PER_STEP, EMBED), jnp.float32),
        pltpu.VMEM((ROWS_PER_W * EMBED,), jnp.float32),
        pltpu.SemaphoreType.DMA,
        pltpu.SemaphoreType.DMA,
    ],
    compiler_params=pltpu.CompilerParams(use_tc_tiling_on_sc=False),
)(_pool_body)


BM = 1024


def _mlp_body(h_ref, w1_ref, b1_ref, w2_ref, b2_ref, o_ref):
    h = h_ref[...]
    z = jnp.dot(h, w1_ref[...], preferred_element_type=jnp.float32)
    z = jnp.maximum(z + b1_ref[...], 0.0)
    o_ref[...] = (
        jnp.dot(z, w2_ref[...], preferred_element_type=jnp.float32)
        + b2_ref[...]
    )


_mlp = pl.pallas_call(
    _mlp_body,
    grid=(BATCH // BM,),
    in_specs=[
        pl.BlockSpec((BM, EMBED), lambda i: (i, 0)),
        pl.BlockSpec((EMBED, HIDDEN), lambda i: (0, 0)),
        pl.BlockSpec((1, HIDDEN), lambda i: (0, 0)),
        pl.BlockSpec((HIDDEN, 128), lambda i: (0, 0)),
        pl.BlockSpec((1, 128), lambda i: (0, 0)),
    ],
    out_specs=pl.BlockSpec((BM, 128), lambda i: (i, 0)),
    out_shape=jax.ShapeDtypeStruct((BATCH, 128), jnp.float32),
)


def kernel(x, emb, W1, b1, W2, b2):
    pooled = _pool(x.reshape(-1), emb).reshape(BATCH, EMBED)
    w2p = jnp.zeros((HIDDEN, 128), jnp.float32).at[:, :NUM_CLASSES].set(W2)
    b2p = jnp.zeros((128,), jnp.float32).at[:NUM_CLASSES].set(b2)
    out = _mlp(pooled, W1, b1.reshape(1, HIDDEN), w2p, b2p.reshape(1, 128))
    return out[:, :NUM_CLASSES]

# --- scband reference (transcript-rebuilt; emitter-appended) ---
"""Pipeline reference for scband-text-classifier-17325898072560 (READ-ONLY COPY).

The authoritative reference and input builder live on the scoring server;
editing this copy changes nothing except your own understanding.
"""

import jax, jax.numpy as jnp
import numpy as np

VOCAB = 1000000
EMBED = 32
HIDDEN = 128
NUM_CLASSES = 10
BATCH = 16384
SEQ = 200

def setup_inputs(seed: int = 0) -> dict:
    key = jax.random.key(seed)
    k_idx, k_emb, k_w1, k_b1, k_w2, k_b2 = jax.random.split(key, 6)
    x = jax.random.randint(k_idx, (BATCH, SEQ), 0, VOCAB, dtype=jnp.int64 if jax.config.jax_enable_x64 else jnp.int32).astype(jnp.int32)
    emb = jax.random.normal(k_emb, (VOCAB, EMBED), dtype=jnp.float32)
    W1 = jax.random.normal(k_w1, (EMBED, HIDDEN), dtype=jnp.float32) * (1.0 / np.sqrt(EMBED))
    b1 = jax.random.normal(k_b1, (HIDDEN,), dtype=jnp.float32) * 0.01
    W2 = jax.random.normal(k_w2, (HIDDEN, NUM_CLASSES), dtype=jnp.float32) * (1.0 / np.sqrt(HIDDEN))
    b2 = jax.random.normal(k_b2, (NUM_CLASSES,), dtype=jnp.float32) * 0.01
    return {"x": x, "emb": emb, "W1": W1, "b1": b1, "W2": W2, "b2": b2}

def reference(x, emb, W1, b1, W2, b2):
    # embedding lookup: gather rows of the table
    h = jnp.take(emb, x, axis=0)            # [B, L, D]
    h = jnp.mean(h, axis=1)                 # [B, D]
    h = jax.nn.relu(h @ W1 + b1)            # [B, 128]
    out = h @ W2 + b2                       # [B, num_classes]
    return out

if __name__ == "__main__":
    import jax
    _d = setup_inputs()
    print(jax.jit(kernel)(*tuple(_d.values())))

</pallas_src>

<mosaic_0001>
#map = affine_map<(d0, d1) -> (0)>
#map1 = affine_map<(d0, d1) -> (0, 0)>
module attributes {stable_mosaic.version = 14 : i64} {
  func.func @_pool_body(%arg0: i32, %arg1: i32, %arg2: memref<3276800xi32, #tpu.memory_space<hbm>>, %arg3: memref<1000000x32xf32, #tpu.memory_space<hbm>>, %arg4: memref<524288xf32, #tpu.memory_space<hbm>>, %arg5: memref<2x800xi32, #tpu.memory_space<vmem>>, %arg6: memref<2x800x32xf32, #tpu.memory_space<vmem>>, %arg7: memref<16384xf32, #tpu.memory_space<vmem>>, %arg8: memref<!tpu.dma_semaphore, #tpu.memory_space<semaphore_mem>>, %arg9: memref<!tpu.dma_semaphore, #tpu.memory_space<semaphore_mem>>) attributes {dimension_semantics = [#tpu.dimension_semantics<core_parallel>, #tpu.dimension_semantics<subcore_parallel>], iteration_bounds = array<i64: 2, 16>, scalar_prefetch = 0 : i64, scratch_operands = 5 : i64, tpu.core_type = #tpu.core_type<sc_vector_subcore>, window_params = [{transform_indices = #map}, {transform_indices = #map1}, {transform_indices = #map}]} {
    %mul3A = arith.constant 2 : i32
    %mul3A_0 = arith.muli %arg1, %mul3A : i32
    %add3A = arith.addi %mul3A_0, %arg0 : i32
    %mul3A_1 = arith.constant 512 : i32
    %mul3A_2 = arith.muli %add3A, %mul3A_1 : i32
    %broadcast_in_dim3A = arith.constant 0.000000e+00 : f32
    %broadcast_in_dim3A_3 = vector.broadcast %broadcast_in_dim3A : f32 to vector<16xf32>
    %add3A_4 = arith.constant 0 : i32
    %add3A_5 = arith.addi %mul3A_2, %add3A_4 : i32
    %mul3A_6 = arith.constant 200 : i32
    %mul3A_7 = arith.muli %add3A_5, %mul3A_6 : i32
    %run_scoped3A = arith.constant 0 : i32
    "tpu.region"() ({
      %run_scoped3A_27 = tpu.sem_alloc : memref<!tpu.dma_semaphore, #tpu.memory_space<semaphore_mem>>
      %dma_start3A_28 = arith.constant 0 : i32
      %dma_start3A_29 = tpu.memref_slice %arg5[%run_scoped3A, %dma_start3A_28] : memref<2x800xi32, #tpu.memory_space<vmem>> -> memref<1x800xi32, #tpu.memory_space<vmem>>
      %dma_start3A_30 = tpu.memref_squeeze %dma_start3A_29 : memref<1x800xi32, #tpu.memory_space<vmem>> -> memref<800xi32, #tpu.memory_space<vmem>>
      %dma_start3A_31 = tpu.memref_slice %arg2[%mul3A_7] : memref<3276800xi32, #tpu.memory_space<hbm>> -> memref<800xi32, #tpu.memory_space<hbm>>
      %dma_start3A_32 = arith.constant 0 : i32
      %dma_start3A_33 = tpu.memref_slice %arg5[%run_scoped3A, %dma_start3A_32] : memref<2x800xi32, #tpu.memory_space<vmem>> -> memref<1x800xi32, #tpu.memory_space<vmem>>
      %dma_start3A_34 = tpu.memref_squeeze %dma_start3A_33 : memref<1x800xi32, #tpu.memory_space<vmem>> -> memref<800xi32, #tpu.memory_space<vmem>>
      %dma_start3A_35 = tpu.memref_slice %arg2[%mul3A_7] : memref<3276800xi32, #tpu.memory_space<hbm>> -> memref<800xi32, #tpu.memory_space<hbm>>
      tpu.enqueue_dma source(%dma_start3A_35 : memref<800xi32, #tpu.memory_space<hbm>>) target(%dma_start3A_34 : memref<800xi32, #tpu.memory_space<vmem>>) target_semaphore(%run_scoped3A_27 : memref<!tpu.dma_semaphore, #tpu.memory_space<semaphore_mem>>)
      %dma_wait3A = arith.constant 0 : i32
      %dma_wait3A_36 = tpu.memref_slice %arg5[%run_scoped3A, %dma_wait3A] : memref<2x800xi32, #tpu.memory_space<vmem>> -> memref<1x800xi32, #tpu.memory_space<vmem>>
      %dma_wait3A_37 = tpu.memref_squeeze %dma_wait3A_36 : memref<1x800xi32, #tpu.memory_space<vmem>> -> memref<800xi32, #tpu.memory_space<vmem>>
      %dma_wait3A_38 = tpu.memref_slice %arg2[%mul3A_7] : memref<3276800xi32, #tpu.memory_space<hbm>> -> memref<800xi32, #tpu.memory_space<hbm>>
      %dma_wait3A_39 = arith.constant 0 : i32
      %dma_wait3A_40 = tpu.memref_slice %arg5[%run_scoped3A, %dma_wait3A_39] : memref<2x800xi32, #tpu.memory_space<vmem>> -> memref<1x800xi32, #tpu.memory_space<vmem>>
      %dma_wait3A_41 = tpu.memref_squeeze %dma_wait3A_40 : memref<1x800xi32, #tpu.memory_space<vmem>> -> memref<800xi32, #tpu.memory_space<vmem>>
      %dma_wait3A_42 = tpu.memref_slice %arg2[%mul3A_7] : memref<3276800xi32, #tpu.memory_space<hbm>> -> memref<800xi32, #tpu.memory_space<hbm>>
      tpu.wait_dma2 semaphore(%run_scoped3A_27 : memref<!tpu.dma_semaphore, #tpu.memory_space<semaphore_mem>>) src(%dma_wait3A_42 : memref<800xi32, #tpu.memory_space<hbm>>) dst(%dma_wait3A_41 : memref<800xi32, #tpu.memory_space<vmem>>)
      tpu.yield
    }) : () -> ()
    %dma_start3A = arith.constant 0 : i32
    %dma_start3A_8 = arith.constant 0 : i32
    %dma_start3A_9 = arith.constant 0 : i32
    %dma_start3A_10 = arith.constant 0 : i32
    %dma_start3A_11 = tpu.memref_slice %arg6[%dma_start3A_8, %dma_start3A_9, %dma_start3A_10] : memref<2x800x32xf32, #tpu.memory_space<vmem>> -> memref<1x800x32xf32, #tpu.memory_space<vmem>>
    %dma_start3A_12 = tpu.memref_squeeze %dma_start3A_11 : memref<1x800x32xf32, #tpu.memory_space<vmem>> -> memref<800x32xf32, #tpu.memory_space<vmem>>
    %dma_start3A_13 = arith.constant 0 : i32
    %dma_start3A_14 = tpu.memref_slice %arg5[%dma_start3A, %dma_start3A_13] : memref<2x800xi32, #tpu.memory_space<vmem>> -> memref<1x800xi32, #tpu.memory_space<vmem>>
    %dma_start3A_15 = tpu.memref_squeeze %dma_start3A_14 : memref<1x800xi32, #tpu.memory_space<vmem>> -> memref<800xi32, #tpu.memory_space<vmem>>
    %dma_start3A_16 = arith.constant 0 : i32
    %dma_start3A_17 = arith.constant 0 : i32
    %dma_start3A_18 = tpu.memref_slice %arg3[%dma_start3A_16, %dma_start3A_17] : memref<1000000x32xf32, #tpu.memory_space<hbm>> -> memref<1000000x32xf32, #tpu.memory_space<hbm>>
    tpu.enqueue_indirect_dma source(%dma_start3A_18 : memref<1000000x32xf32, #tpu.memory_space<hbm>>) target(%dma_start3A_12 : memref<800x32xf32, #tpu.memory_space<vmem>>) offsets(%dma_start3A_15 : memref<800xi32, #tpu.memory_space<vmem>>) semaphore(%arg8 : memref<!tpu.dma_semaphore, #tpu.memory_space<semaphore_mem>>)
    %scan3A = arith.constant 0 : i32
    %scan3A_19 = arith.constant 5.000000e-03 : f32
    %scan3A_20 = arith.constant 0 : i32
    %scan3A_21 = arith.constant 64 : i32
    %scan3A_22 = arith.addi %scan3A_20, %scan3A_21 : i32
    %scan3A_23 = arith.constant 1 : i32
    scf.for %scan3A_27 = %scan3A_20 to %scan3A_22 step %scan3A_23  : i32 {
      %mul3A_28 = arith.constant 2 : i32
      %mul3A_29 = arith.muli %mul3A_28, %scan3A_27 : i32
      %add3A_30 = arith.constant 1 : i32
      %add3A_31 = arith.addi %mul3A_29, %add3A_30 : i32
      %mul3A_32 = arith.constant 4 : i32
      %mul3A_33 = arith.muli %add3A_31, %mul3A_32 : i32
      %add3A_34 = arith.addi %mul3A_2, %mul3A_33 : i32
      %mul3A_35 = arith.constant 200 : i32
      %mul3A_36 = arith.muli %add3A_34, %mul3A_35 : i32
      %run_scoped3A_37 = arith.constant 1 : i32
      "tpu.region"() ({
        %run_scoped3A_252 = tpu.sem_alloc : memref<!tpu.dma_semaphore, #tpu.memory_space<semaphore_mem>>
        %dma_start3A_253 = arith.constant 0 : i32
        %dma_start3A_254 = tpu.memref_slice %arg5[%run_scoped3A_37, %dma_start3A_253] : memref<2x800xi32, #tpu.memory_space<vmem>> -> memref<1x800xi32, #tpu.memory_space<vmem>>
        %dma_start3A_255 = tpu.memref_squeeze %dma_start3A_254 : memref<1x800xi32, #tpu.memory_space<vmem>> -> memref<800xi32, #tpu.memory_space<vmem>>
        %dma_start3A_256 = tpu.memref_slice %arg2[%mul3A_36] : memref<3276800xi32, #tpu.memory_space<hbm>> -> memref<800xi32, #tpu.memory_space<hbm>>
        %dma_start3A_257 = arith.constant 0 : i32
        %dma_start3A_258 = tpu.memref_slice %arg5[%run_scoped3A_37, %dma_start3A_257] : memref<2x800xi32, #tpu.memory_space<vmem>> -> memref<1x800xi32, #tpu.memory_space<vmem>>
        %dma_start3A_259 = tpu.memref_squeeze %dma_start3A_258 : memref<1x800xi32, #tpu.memory_space<vmem>> -> memref<800xi32, #tpu.memory_space<vmem>>
        %dma_start3A_260 = tpu.memref_slice %arg2[%mul3A_36] : memref<3276800xi32, #tpu.memory_space<hbm>> -> memref<800xi32, #tpu.memory_space<hbm>>
        tpu.enqueue_dma source(%dma_start3A_260 : memref<800xi32, #tpu.memory_space<hbm>>) target(%dma_start3A_259 : memref<800xi32, #tpu.memory_space<vmem>>) target_semaphore(%run_scoped3A_252 : memref<!tpu.dma_semaphore, #tpu.memory_space<semaphore_mem>>)
        %dma_wait3A_261 = arith.constant 0 : i32
        %dma_wait3A_262 = tpu.memref_slice %arg5[%run_scoped3A_37, %dma_wait3A_261] : memref<2x800xi32, #tpu.memory_space<vmem>> -> memref<1x800xi32, #tpu.memory_space<vmem>>
        %dma_wait3A_263 = tpu.memref_squeeze %dma_wait3A_262 : memref<1x800xi32, #tpu.memory_space<vmem>> -> memref<800xi32, #tpu.memory_space<vmem>>
        %dma_wait3A_264 = tpu.memref_slice %arg2[%mul3A_36] : memref<3276800xi32, #tpu.memory_space<hbm>> -> memref<800xi32, #tpu.memory_space<hbm>>
        %dma_wait3A_265 = arith.constant 0 : i32
        %dma_wait3A_266 = tpu.memref_slice %arg5[%run_scoped3A_37, %dma_wait3A_265] : memref<2x800xi32, #tpu.memory_space<vmem>> -> memref<1x800xi32, #tpu.memory_space<vmem>>
        %dma_wait3A_267 = tpu.memref_squeeze %dma_wait3A_266 : memref<1x800xi32, #tpu.memory_space<vmem>> -> memref<800xi32, #tpu.memory_space<vmem>>
        %dma_wait3A_268 = tpu.memref_slice %arg2[%mul3A_36] : memref<3276800xi32, #tpu.memory_space<hbm>> -> memref<800xi32, #tpu.memory_space<hbm>>
        tpu.wait_dma2 semaphore(%run_scoped3A_252 : memref<!tpu.dma_semaphore, #tpu.memory_space<semaphore_mem>>) src(%dma_wait3A_268 : memref<800xi32, #tpu.memory_space<hbm>>) dst(%dma_wait3A_267 : memref<800xi32, #tpu.memory_space<vmem>>)
        tpu.yield
      }) : () -> ()
      %dma_start3A_38 = arith.constant 1 : i32
      %dma_start3A_39 = arith.constant 1 : i32
      %dma_start3A_40 = arith.constant 0 : i32
      %dma_start3A_41 = arith.constant 0 : i32
      %dma_start3A_42 = tpu.memref_slice %arg6[%dma_start3A_39, %dma_start3A_40, %dma_start3A_41] : memref<2x800x32xf32, #tpu.memory_space<vmem>> -> memref<1x800x32xf32, #tpu.memory_space<vmem>>
      %dma_start3A_43 = tpu.memref_squeeze %dma_start3A_42 : memref<1x800x32xf32, #tpu.memory_space<vmem>> -> memref<800x32xf32, #tpu.memory_space<vmem>>
      %dma_start3A_44 = arith.constant 0 : i32
      %dma_start3A_45 = tpu.memref_slice %arg5[%dma_start3A_38, %dma_start3A_44] : memref<2x800xi32, #tpu.memory_space<vmem>> -> memref<1x800xi32, #tpu.memory_space<vmem>>
      %dma_start3A_46 = tpu.memref_squeeze %dma_start3A_45 : memref<1x800xi32, #tpu.memory_space<vmem>> -> memref<800xi32, #tpu.memory_space<vmem>>
      %dma_start3A_47 = arith.constant 0 : i32
      %dma_start3A_48 = arith.constant 0 : i32
      %dma_start3A_49 = tpu.memref_slice %arg3[%dma_start3A_47, %dma_start3A_48] : memref<1000000x32xf32, #tpu.memory_space<hbm>> -> memref<1000000x32xf32, #tpu.memory_space<hbm>>
      tpu.enqueue_indirect_dma source(%dma_start3A_49 : memref<1000000x32xf32, #tpu.memory_space<hbm>>) target(%dma_start3A_43 : memref<800x32xf32, #tpu.memory_space<vmem>>) offsets(%dma_start3A_46 : memref<800xi32, #tpu.memory_space<vmem>>) semaphore(%arg9 : memref<!tpu.dma_semaphore, #tpu.memory_space<semaphore_mem>>)
      %dma_wait3A = arith.constant 0 : i32
      %dma_wait3A_50 = arith.constant 0 : i32
      %dma_wait3A_51 = arith.constant 0 : i32
      %dma_wait3A_52 = arith.constant 0 : i32
      %dma_wait3A_53 = tpu.memref_slice %arg6[%dma_wait3A_50, %dma_wait3A_51, %dma_wait3A_52] : memref<2x800x32xf32, #tpu.memory_space<vmem>> -> memref<1x800x32xf32, #tpu.memory_space<vmem>>
      %dma_wait3A_54 = tpu.memref_squeeze %dma_wait3A_53 : memref<1x800x32xf32, #tpu.memory_space<vmem>> -> memref<800x32xf32, #tpu.memory_space<vmem>>
      %dma_wait3A_55 = arith.constant 0 : i32
      %dma_wait3A_56 = tpu.memref_slice %arg5[%dma_wait3A, %dma_wait3A_55] : memref<2x800xi32, #tpu.memory_space<vmem>> -> memref<1x800xi32, #tpu.memory_space<vmem>>
      %dma_wait3A_57 = tpu.memref_squeeze %dma_wait3A_56 : memref<1x800xi32, #tpu.memory_space<vmem>> -> memref<800xi32, #tpu.memory_space<vmem>>
      %dma_wait3A_58 = arith.constant 0 : i32
      %dma_wait3A_59 = arith.constant 0 : i32
      %dma_wait3A_60 = tpu.memref_slice %arg3[%dma_wait3A_58, %dma_wait3A_59] : memref<1000000x32xf32, #tpu.memory_space<hbm>> -> memref<1000000x32xf32, #tpu.memory_space<hbm>>
      tpu.wait_indirect_dma semaphore(%arg8 : memref<!tpu.dma_semaphore, #tpu.memory_space<semaphore_mem>>) src(%dma_wait3A_60 : memref<1000000x32xf32, #tpu.memory_space<hbm>>) dst(%dma_wait3A_54 : memref<800x32xf32, #tpu.memory_space<vmem>>)
      %mul3A_61 = arith.constant 2 : i32
      %mul3A_62 = arith.muli %mul3A_61, %scan3A_27 : i32
      %scan3A_63 = arith.constant 0 : i32
      %scan3A_64 = arith.constant 100 : i32
      %scan3A_65 = arith.addi %scan3A_63, %scan3A_64 : i32
      %scan3A_66 = arith.constant 1 : i32
      %scan3A_67:8 = scf.for %scan3A_252 = %scan3A_63 to %scan3A_65 step %scan3A_66 iter_args(%scan3A_253 = %broadcast_in_dim3A_3, %scan3A_254 = %broadcast_in_dim3A_3, %scan3A_255 = %broadcast_in_dim3A_3, %scan3A_256 = %broadcast_in_dim3A_3, %scan3A_257 = %broadcast_in_dim3A_3, %scan3A_258 = %broadcast_in_dim3A_3, %scan3A_259 = %broadcast_in_dim3A_3, %scan3A_260 = %broadcast_in_dim3A_3) -> (vector<16xf32>, vector<16xf32>, vector<16xf32>, vector<16xf32>, vector<16xf32>, vector<16xf32>, vector<16xf32>, vector<16xf32>)  : i32 {
        %mul3A_261 = arith.constant 2 : i32
        %mul3A_262 = arith.muli %mul3A_261, %scan3A_252 : i32
        %add3A_263 = arith.constant 0 : i32
        %add3A_264 = arith.addi %add3A_263, %mul3A_262 : i32
        %get3A = arith.constant 0 : i32
        %get3A_265 = arith.index_cast %get3A : i32 to index
        %get3A_266 = arith.index_cast %add3A_264 : i32 to index
        %get3A_267 = arith.constant 0 : index
        %get3A_268 = tpu.vector_load %arg6[%get3A_265, %get3A_266, %get3A_267] {strides = array<i32>} : memref<2x800x32xf32, #tpu.memory_space<vmem>>, vector<1x1x16xf32>,
        %get3A_269 = vector.shape_cast %get3A_268 : vector<1x1x16xf32> to vector<16xf32>
        %add3A_270 = arith.addf %scan3A_253, %get3A_269 : vector<16xf32>
        %add3A_271 = arith.constant 0 : i32
        %add3A_272 = arith.addi %add3A_271, %mul3A_262 : i32
        %get3A_273 = arith.constant 0 : i32
        %get3A_274 = arith.index_cast %get3A_273 : i32 to index
        %get3A_275 = arith.index_cast %add3A_272 : i32 to index
        %get3A_276 = arith.constant 16 : index
        %get3A_277 = tpu.vector_load %arg6[%get3A_274, %get3A_275, %get3A_276] {strides = array<i32>} : memref<2x800x32xf32, #tpu.memory_space<vmem>>, vector<1x1x16xf32>,
        %get3A_278 = vector.shape_cast %get3A_277 : vector<1x1x16xf32> to vector<16xf32>
        %add3A_279 = arith.addf %scan3A_254, %get3A_278 : vector<16xf32>
        %add3A_280 = arith.constant 0 : i32
        %add3A_281 = arith.addi %add3A_280, %mul3A_262 : i32
        %add3A_282 = arith.constant 1 : i32
        %add3A_283 = arith.addi %add3A_281, %add3A_282 : i32
        %get3A_284 = arith.constant 0 : i32
        %get3A_285 = arith.index_cast %get3A_284 : i32 to index
        %get3A_286 = arith.index_cast %add3A_283 : i32 to index
        %get3A_287 = arith.constant 0 : index
        %get3A_288 = tpu.vector_load %arg6[%get3A_285, %get3A_286, %get3A_287] {strides = array<i32>} : memref<2x800x32xf32, #tpu.memory_space<vmem>>, vector<1x1x16xf32>,
        %get3A_289 = vector.shape_cast %get3A_288 : vector<1x1x16xf32> to vector<16xf32>
        %add3A_290 = arith.addf %add3A_270, %get3A_289 : vector<16xf32>
        %add3A_291 = arith.constant 0 : i32
        %add3A_292 = arith.addi %add3A_291, %mul3A_262 : i32
        %add3A_293 = arith.constant 1 : i32
        %add3A_294 = arith.addi %add3A_292, %add3A_293 : i32
        %get3A_295 = arith.constant 0 : i32
        %get3A_296 = arith.index_cast %get3A_295 : i32 to index
        %get3A_297 = arith.index_cast %add3A_294 : i32 to index
        %get3A_298 = arith.constant 16 : index
        %get3A_299 = tpu.vector_load %arg6[%get3A_296, %get3A_297, %get3A_298] {strides = array<i32>} : memref<2x800x32xf32, #tpu.memory_space<vmem>>, vector<1x1x16xf32>,
        %get3A_300 = vector.shape_cast %get3A_299 : vector<1x1x16xf32> to vector<16xf32>
        %add3A_301 = arith.addf %add3A_279, %get3A_300 : vector<16xf32>
        %mul3A_302 = arith.constant 2 : i32
        %mul3A_303 = arith.muli %mul3A_302, %scan3A_252 : i32
        %add3A_304 = arith.constant 200 : i32
        %add3A_305 = arith.addi %add3A_304, %mul3A_303 : i32
        %get3A_306 = arith.constant 0 : i32
        %get3A_307 = arith.index_cast %get3A_306 : i32 to index
        %get3A_308 = arith.index_cast %add3A_305 : i32 to index
        %get3A_309 = arith.constant 0 : index
        %get3A_310 = tpu.vector_load %arg6[%get3A_307, %get3A_308, %get3A_309] {strides = array<i32>} : memref<2x800x32xf32, #tpu.memory_space<vmem>>, vector<1x1x16xf32>,
        %get3A_311 = vector.shape_cast %get3A_310 : vector<1x1x16xf32> to vector<16xf32>
        %add3A_312 = arith.addf %scan3A_255, %get3A_311 : vector<16xf32>
        %add3A_313 = arith.constant 200 : i32
        %add3A_314 = arith.addi %add3A_313, %mul3A_303 : i32
        %get3A_315 = arith.constant 0 : i32
        %get3A_316 = arith.index_cast %get3A_315 : i32 to index
        %get3A_317 = arith.index_cast %add3A_314 : i32 to index
        %get3A_318 = arith.constant 16 : index
        %get3A_319 = tpu.vector_load %arg6[%get3A_316, %get3A_317, %get3A_318] {strides = array<i32>} : memref<2x800x32xf32, #tpu.memory_space<vmem>>, vector<1x1x16xf32>,
        %get3A_320 = vector.shape_cast %get3A_319 : vector<1x1x16xf32> to vector<16xf32>
        %add3A_321 = arith.addf %scan3A_256, %get3A_320 : vector<16xf32>
        %add3A_322 = arith.constant 200 : i32
        %add3A_323 = arith.addi %add3A_322, %mul3A_303 : i32
        %add3A_324 = arith.constant 1 : i32
        %add3A_325 = arith.addi %add3A_323, %add3A_324 : i32
        %get3A_326 = arith.constant 0 : i32
        %get3A_327 = arith.index_cast %get3A_326 : i32 to index
        %get3A_328 = arith.index_cast %add3A_325 : i32 to index
        %get3A_329 = arith.constant 0 : index
        %get3A_330 = tpu.vector_load %arg6[%get3A_327, %get3A_328, %get3A_329] {strides = array<i32>} : memref<2x800x32xf32, #tpu.memory_space<vmem>>, vector<1x1x16xf32>,
        %get3A_331 = vector.shape_cast %get3A_330 : vector<1x1x16xf32> to vector<16xf32>
        %add3A_332 = arith.addf %add3A_312, %get3A_331 : vector<16xf32>
        %add3A_333 = arith.constant 200 : i32
        %add3A_334 = arith.addi %add3A_333, %mul3A_303 : i32
        %add3A_335 = arith.constant 1 : i32
        %add3A_336 = arith.addi %add3A_334, %add3A_335 : i32
        %get3A_337 = arith.constant 0 : i32
        %get3A_338 = arith.index_cast %get3A_337 : i32 to index
        %get3A_339 = arith.index_cast %add3A_336 : i32 to index
        %get3A_340 = arith.constant 16 : index
        %get3A_341 = tpu.vector_load %arg6[%get3A_338, %get3A_339, %get3A_340] {strides = array<i32>} : memref<2x800x32xf32, #tpu.memory_space<vmem>>, vector<1x1x16xf32>,
        %get3A_342 = vector.shape_cast %get3A_341 : vector<1x1x16xf32> to vector<16xf32>
        %add3A_343 = arith.addf %add3A_321, %get3A_342 : vector<16xf32>
        %mul3A_344 = arith.constant 2 : i32
        %mul3A_345 = arith.muli %mul3A_344, %scan3A_252 : i32
        %add3A_346 = arith.constant 400 : i32
        %add3A_347 = arith.addi %add3A_346, %mul3A_345 : i32
        %get3A_348 = arith.constant 0 : i32
        %get3A_349 = arith.index_cast %get3A_348 : i32 to index
        %get3A_350 = arith.index_cast %add3A_347 : i32 to index
        %get3A_351 = arith.constant 0 : index
        %get3A_352 = tpu.vector_load %arg6[%get3A_349, %get3A_350, %get3A_351] {strides = array<i32>} : memref<2x800x32xf32, #tpu.memory_space<vmem>>, vector<1x1x16xf32>,
        %get3A_353 = vector.shape_cast %get3A_352 : vector<1x1x16xf32> to vector<16xf32>
        %add3A_354 = arith.addf %scan3A_257, %get3A_353 : vector<16xf32>
        %add3A_355 = arith.constant 400 : i32
        %add3A_356 = arith.addi %add3A_355, %mul3A_345 : i32
        %get3A_357 = arith.constant 0 : i32
        %get3A_358 = arith.index_cast %get3A_357 : i32 to index
        %get3A_359 = arith.index_cast %add3A_356 : i32 to index
        %get3A_360 = arith.constant 16 : index
        %get3A_361 = tpu.vector_load %arg6[%get3A_358, %get3A_359, %get3A_360] {strides = array<i32>} : memref<2x800x32xf32, #tpu.memory_space<vmem>>, vector<1x1x16xf32>,
        %get3A_362 = vector.shape_cast %get3A_361 : vector<1x1x16xf32> to vector<16xf32>
        %add3A_363 = arith.addf %scan3A_258, %get3A_362 : vector<16xf32>
        %add3A_364 = arith.constant 400 : i32
        %add3A_365 = arith.addi %add3A_364, %mul3A_345 : i32
        %add3A_366 = arith.constant 1 : i32
        %add3A_367 = arith.addi %add3A_365, %add3A_366 : i32
        %get3A_368 = arith.constant 0 : i32
        %get3A_369 = arith.index_cast %get3A_368 : i32 to index
        %get3A_370 = arith.index_cast %add3A_367 : i32 to index
        %get3A_371 = arith.constant 0 : index
        %get3A_372 = tpu.vector_load %arg6[%get3A_369, %get3A_370, %get3A_371] {strides = array<i32>} : memref<2x800x32xf32, #tpu.memory_space<vmem>>, vector<1x1x16xf32>,
        %get3A_373 = vector.shape_cast %get3A_372 : vector<1x1x16xf32> to vector<16xf32>
        %add3A_374 = arith.addf %add3A_354, %get3A_373 : vector<16xf32>
        %add3A_375 = arith.constant 400 : i32
        %add3A_376 = arith.addi %add3A_375, %mul3A_345 : i32
        %add3A_377 = arith.constant 1 : i32
        %add3A_378 = arith.addi %add3A_376, %add3A_377 : i32
        %get3A_379 = arith.constant 0 : i32
        %get3A_380 = arith.index_cast %get3A_379 : i32 to index
        %get3A_381 = arith.index_cast %add3A_378 : i32 to index
        %get3A_382 = arith.constant 16 : index
        %get3A_383 = tpu.vector_load %arg6[%get3A_380, %get3A_381, %get3A_382] {strides = array<i32>} : memref<2x800x32xf32, #tpu.memory_space<vmem>>, vector<1x1x16xf32>,
        %get3A_384 = vector.shape_cast %get3A_383 : vector<1x1x16xf32> to vector<16xf32>
        %add3A_385 = arith.addf %add3A_363, %get3A_384 : vector<16xf32>
        %mul3A_386 = arith.constant 2 : i32
        %mul3A_387 = arith.muli %mul3A_386, %scan3A_252 : i32
        %add3A_388 = arith.constant 600 : i32
        %add3A_389 = arith.addi %add3A_388, %mul3A_387 : i32
        %get3A_390 = arith.constant 0 : i32
        %get3A_391 = arith.index_cast %get3A_390 : i32 to index
        %get3A_392 = arith.index_cast %add3A_389 : i32 to index
        %get3A_393 = arith.constant 0 : index
        %get3A_394 = tpu.vector_load %arg6[%get3A_391, %get3A_392, %get3A_393] {strides = array<i32>} : memref<2x800x32xf32, #tpu.memory_space<vmem>>, vector<1x1x16xf32>,
        %get3A_395 = vector.shape_cast %get3A_394 : vector<1x1x16xf32> to vector<16xf32>
        %add3A_396 = arith.addf %scan3A_259, %get3A_395 : vector<16xf32>
        %add3A_397 = arith.constant 600 : i32
        %add3A_398 = arith.addi %add3A_397, %mul3A_387 : i32
        %get3A_399 = arith.constant 0 : i32
        %get3A_400 = arith.index_cast %get3A_399 : i32 to index
        %get3A_401 = arith.index_cast %add3A_398 : i32 to index
        %get3A_402 = arith.constant 16 : index
        %get3A_403 = tpu.vector_load %arg6[%get3A_400, %get3A_401, %get3A_402] {strides = array<i32>} : memref<2x800x32xf32, #tpu.memory_space<vmem>>, vector<1x1x16xf32>,
        %get3A_404 = vector.shape_cast %get3A_403 : vector<1x1x16xf32> to vector<16xf32>
        %add3A_405 = arith.addf %scan3A_260, %get3A_404 : vector<16xf32>
        %add3A_406 = arith.constant 600 : i32
        %add3A_407 = arith.addi %add3A_406, %mul3A_387 : i32
        %add3A_408 = arith.constant 1 : i32
        %add3A_409 = arith.addi %add3A_407, %add3A_408 : i32
        %get3A_410 = arith.constant 0 : i32
        %get3A_411 = arith.index_cast %get3A_410 : i32 to index
        %get3A_412 = arith.index_cast %add3A_409 : i32 to index
        %get3A_413 = arith.constant 0 : index
        %get3A_414 = tpu.vector_load %arg6[%get3A_411, %get3A_412, %get3A_413] {strides = array<i32>} : memref<2x800x32xf32, #tpu.memory_space<vmem>>, vector<1x1x16xf32>,
        %get3A_415 = vector.shape_cast %get3A_414 : vector<1x1x16xf32> to vector<16xf32>
        %add3A_416 = arith.addf %add3A_396, %get3A_415 : vector<16xf32>
        %add3A_417 = arith.constant 600 : i32
        %add3A_418 = arith.addi %add3A_417, %mul3A_387 : i32
        %add3A_419 = arith.constant 1 : i32
        %add3A_420 = arith.addi %add3A_418, %add3A_419 : i32
        %get3A_421 = arith.constant 0 : i32
        %get3A_422 = arith.index_cast %get3A_421 : i32 to index
        %get3A_423 = arith.index_cast %add3A_420 : i32 to index
        %get3A_424 = arith.constant 16 : index
        %get3A_425 = tpu.vector_load %arg6[%get3A_422, %get3A_423, %get3A_424] {strides = array<i32>} : memref<2x800x32xf32, #tpu.memory_space<vmem>>, vector<1x1x16xf32>,
        %get3A_426 = vector.shape_cast %get3A_425 : vector<1x1x16xf32> to vector<16xf32>
        %add3A_427 = arith.addf %add3A_405, %get3A_426 : vector<16xf32>
        scf.yield %add3A_290, %add3A_301, %add3A_332, %add3A_343, %add3A_374, %add3A_385, %add3A_416, %add3A_427 : vector<16xf32>, vector<16xf32>, vector<16xf32>, vector<16xf32>, vector<16xf32>, vector<16xf32>, vector<16xf32>, vector<16xf32>
      }
      %scan3A_68 = arith.constant 100 : i32
      %mul3A_69 = arith.constant 4 : i32
      %mul3A_70 = arith.muli %mul3A_62, %mul3A_69 : i32
      %add3A_71 = arith.constant 0 : i32
      %add3A_72 = arith.addi %mul3A_70, %add3A_71 : i32
      %mul3A_73 = arith.constant 32 : i32
      %mul3A_74 = arith.muli %add3A_72, %mul3A_73 : i32
      %mul3A_75 = vector.broadcast %scan3A_19 : f32 to vector<16xf32>
      %mul3A_76 = arith.mulf %scan3A_67#0, %mul3A_75 : vector<16xf32>
      %swap3A = arith.index_cast %mul3A_74 : i32 to index
      %swap3A_77 = tpu.vector_load %arg7[%swap3A] {strides = array<i32>} : memref<16384xf32, #tpu.memory_space<vmem>>, vector<16xf32>,
      %swap3A_78 = vector.shape_cast %swap3A_77 : vector<16xf32> to vector<16xf32>
      %swap3A_79 = vector.shape_cast %mul3A_76 : vector<16xf32> to vector<16xf32>
      tpu.vector_store %arg7[%swap3A], %swap3A_79 {strides = array<i32>} : memref<16384xf32, #tpu.memory_space<vmem>>, vector<16xf32>,
      %mul3A_80 = vector.broadcast %scan3A_19 : f32 to vector<16xf32>
      %mul3A_81 = arith.mulf %scan3A_67#1, %mul3A_80 : vector<16xf32>
      %add3A_82 = arith.constant 16 : i32
      %add3A_83 = arith.addi %mul3A_74, %add3A_82 : i32
      %swap3A_84 = arith.index_cast %add3A_83 : i32 to index
      %swap3A_85 = tpu.vector_load %arg7[%swap3A_84] {strides = array<i32>} : memref<16384xf32, #tpu.memory_space<vmem>>, vector<16xf32>,
      %swap3A_86 = vector.shape_cast %swap3A_85 : vector<16xf32> to vector<16xf32>
      %swap3A_87 = vector.shape_cast %mul3A_81 : vector<16xf32> to vector<16xf32>
      tpu.vector_store %arg7[%swap3A_84], %swap3A_87 {strides = array<i32>} : memref<16384xf32, #tpu.memory_space<vmem>>, vector<16xf32>,
      %mul3A_88 = arith.constant 4 : i32
      %mul3A_89 = arith.muli %mul3A_62, %mul3A_88 : i32
      %add3A_90 = arith.constant 1 : i32
      %add3A_91 = arith.addi %mul3A_89, %add3A_90 : i32
      %mul3A_92 = arith.constant 32 : i32
      %mul3A_93 = arith.muli %add3A_91, %mul3A_92 : i32
      %mul3A_94 = vector.broadcast %scan3A_19 : f32 to vector<16xf32>
      %mul3A_95 = arith.mulf %scan3A_67#2, %mul3A_94 : vector<16xf32>
      %swap3A_96 = arith.index_cast %mul3A_93 : i32 to index
      %swap3A_97 = tpu.vector_load %arg7[%swap3A_96] {strides = array<i32>} : memref<16384xf32, #tpu.memory_space<vmem>>, vector<16xf32>,
      %swap3A_98 = vector.shape_cast %swap3A_97 : vector<16xf32> to vector<16xf32>
      %swap3A_99 = vector.shape_cast %mul3A_95 : vector<16xf32> to vector<16xf32>
      tpu.vector_store %arg7[%swap3A_96], %swap3A_99 {strides = array<i32>} : memref<16384xf32, #tpu.memory_space<vmem>>, vector<16xf32>,
      %mul3A_100 = vector.broadcast %scan3A_19 : f32 to vector<16xf32>
      %mul3A_101 = arith.mulf %scan3A_67#3, %mul3A_100 : vector<16xf32>
      %add3A_102 = arith.constant 16 : i32
      %add3A_103 = arith.addi %mul3A_93, %add3A_102 : i32
      %swap3A_104 = arith.index_cast %add3A_103 : i32 to index
      %swap3A_105 = tpu.vector_load %arg7[%swap3A_104] {strides = array<i32>} : memref<16384xf32, #tpu.memory_space<vmem>>, vector<16xf32>,
      %swap3A_106 = vector.shape_cast %swap3A_105 : vector<16xf32> to vector<16xf32>
      %swap3A_107 = vector.shape_cast %mul3A_101 : vector<16xf32> to vector<16xf32>
      tpu.vector_store %arg7[%swap3A_104], %swap3A_107 {strides = array<i32>} : memref<16384xf32, #tpu.memory_space<vmem>>, vector<16xf32>,
      %mul3A_108 = arith.constant 4 : i32
      %mul3A_109 = arith.muli %mul3A_62, %mul3A_108 : i32
      %add3A_110 = arith.constant 2 : i32
      %add3A_111 = arith.addi %mul3A_109, %add3A_110 : i32
      %mul3A_112 = arith.constant 32 : i32
      %mul3A_113 = arith.muli %add3A_111, %mul3A_112 : i32
      %mul3A_114 = vector.broadcast %scan3A_19 : f32 to vector<16xf32>
      %mul3A_115 = arith.mulf %scan3A_67#4, %mul3A_114 : vector<16xf32>
      %swap3A_116 = arith.index_cast %mul3A_113 : i32 to index
      %swap3A_117 = tpu.vector_load %arg7[%swap3A_116] {strides = array<i32>} : memref<16384xf32, #tpu.memory_space<vmem>>, vector<16xf32>,
      %swap3A_118 = vector.shape_cast %swap3A_117 : vector<16xf32> to vector<16xf32>
      %swap3A_119 = vector.shape_cast %mul3A_115 : vector<16xf32> to vector<16xf32>
      tpu.vector_store %arg7[%swap3A_116], %swap3A_119 {strides = array<i32>} : memref<16384xf32, #tpu.memory_space<vmem>>, vector<16xf32>,
      %mul3A_120 = vector.broadcast %scan3A_19 : f32 to vector<16xf32>
      %mul3A_121 = arith.mulf %scan3A_67#5, %mul3A_120 : vector<16xf32>
      %add3A_122 = arith.constant 16 : i32
      %add3A_123 = arith.addi %mul3A_113, %add3A_122 : i32
      %swap3A_124 = arith.index_cast %add3A_123 : i32 to index
      %swap3A_125 = tpu.vector_load %arg7[%swap3A_124] {strides = array<i32>} : memref<16384xf32, #tpu.memory_space<vmem>>, vector<16xf32>,
      %swap3A_126 = vector.shape_cast %swap3A_125 : vector<16xf32> to vector<16xf32>
      %swap3A_127 = vector.shape_cast %mul3A_121 : vector<16xf32> to vector<16xf32>
      tpu.vector_store %arg7[%swap3A_124], %swap3A_127 {strides = array<i32>} : memref<16384xf32, #tpu.memory_space<vmem>>, vector<16xf32>,
      %mul3A_128 = arith.constant 4 : i32
      %mul3A_129 = arith.muli %mul3A_62, %mul3A_128 : i32
      %add3A_130 = arith.constant 3 : i32
      %add3A_131 = arith.addi %mul3A_129, %add3A_130 : i32
      %mul3A_132 = arith.constant 32 : i32
      %mul3A_133 = arith.muli %add3A_131, %mul3A_132 : i32
      %mul3A_134 = vector.broadcast %scan3A_19 : f32 to vector<16xf32>
      %mul3A_135 = arith.mulf %scan3A_67#6, %mul3A_134 : vector<16xf32>
      %swap3A_136 = arith.index_cast %mul3A_133 : i32 to index
      %swap3A_137 = tpu.vector_load %arg7[%swap3A_136] {strides = array<i32>} : memref<16384xf32, #tpu.memory_space<vmem>>, vector<16xf32>,
      %swap3A_138 = vector.shape_cast %swap3A_137 : vector<16xf32> to vector<16xf32>
      %swap3A_139 = vector.shape_cast %mul3A_135 : vector<16xf32> to vector<16xf32>
      tpu.vector_store %arg7[%swap3A_136], %swap3A_139 {strides = array<i32>} : memref<16384xf32, #tpu.memory_space<vmem>>, vector<16xf32>,
      %mul3A_140 = vector.broadcast %scan3A_19 : f32 to vector<16xf32>
      %mul3A_141 = arith.mulf %scan3A_67#7, %mul3A_140 : vector<16xf32>
      %add3A_142 = arith.constant 16 : i32
      %add3A_143 = arith.addi %mul3A_133, %add3A_142 : i32
      %swap3A_144 = arith.index_cast %add3A_143 : i32 to index
      %swap3A_145 = tpu.vector_load %arg7[%swap3A_144] {strides = array<i32>} : memref<16384xf32, #tpu.memory_space<vmem>>, vector<16xf32>,
      %swap3A_146 = vector.shape_cast %swap3A_145 : vector<16xf32> to vector<16xf32>
      %swap3A_147 = vector.shape_cast %mul3A_141 : vector<16xf32> to vector<16xf32>
      tpu.vector_store %arg7[%swap3A_144], %swap3A_147 {strides = array<i32>} : memref<16384xf32, #tpu.memory_space<vmem>>, vector<16xf32>,
      %lt3A = arith.constant 63 : i32
      %lt3A_148 = arith.cmpi slt, %scan3A_27, %lt3A : i32
      %convert_element_type3A = arith.extui %lt3A_148 : i1 to i32
      %cond3A = arith.constant 0 : i32
      %cond3A_149 = arith.cmpi ne, %convert_element_type3A, %cond3A : i32
      scf.if %cond3A_149 {
        %mul3A_252 = arith.constant 2 : i32
        %mul3A_253 = arith.muli %mul3A_252, %scan3A_27 : i32
        %add3A_254 = arith.constant 2 : i32
        %add3A_255 = arith.addi %mul3A_253, %add3A_254 : i32
        %mul3A_256 = arith.constant 4 : i32
        %mul3A_257 = arith.muli %add3A_255, %mul3A_256 : i32
        %add3A_258 = arith.addi %mul3A_2, %mul3A_257 : i32
        %mul3A_259 = arith.constant 200 : i32
        %mul3A_260 = arith.muli %add3A_258, %mul3A_259 : i32
        %run_scoped3A_261 = arith.constant 0 : i32
        "tpu.region"() ({
          %run_scoped3A_274 = tpu.sem_alloc : memref<!tpu.dma_semaphore, #tpu.memory_space<semaphore_mem>>
          %dma_start3A_275 = arith.constant 0 : i32
          %dma_start3A_276 = tpu.memref_slice %arg5[%run_scoped3A_261, %dma_start3A_275] : memref<2x800xi32, #tpu.memory_space<vmem>> -> memref<1x800xi32, #tpu.memory_space<vmem>>
          %dma_start3A_277 = tpu.memref_squeeze %dma_start3A_276 : memref<1x800xi32, #tpu.memory_space<vmem>> -> memref<800xi32, #tpu.memory_space<vmem>>
          %dma_start3A_278 = tpu.memref_slice %arg2[%mul3A_260] : memref<3276800xi32, #tpu.memory_space<hbm>> -> memref<800xi32, #tpu.memory_space<hbm>>
          %dma_start3A_279 = arith.constant 0 : i32
          %dma_start3A_280 = tpu.memref_slice %arg5[%run_scoped3A_261, %dma_start3A_279] : memref<2x800xi32, #tpu.memory_space<vmem>> -> memref<1x800xi32, #tpu.memory_space<vmem>>
          %dma_start3A_281 = tpu.memref_squeeze %dma_start3A_280 : memref<1x800xi32, #tpu.memory_space<vmem>> -> memref<800xi32, #tpu.memory_space<vmem>>
          %dma_start3A_282 = tpu.memref_slice %arg2[%mul3A_260] : memref<3276800xi32, #tpu.memory_space<hbm>> -> memref<800xi32, #tpu.memory_space<hbm>>
          tpu.enqueue_dma source(%dma_start3A_282 : memref<800xi32, #tpu.memory_space<hbm>>) target(%dma_start3A_281 : memref<800xi32, #tpu.memory_space<vmem>>) target_semaphore(%run_scoped3A_274 : memref<!tpu.dma_semaphore, #tpu.memory_space<semaphore_mem>>)
          %dma_wait3A_283 = arith.constant 0 : i32
          %dma_wait3A_284 = tpu.memref_slice %arg5[%run_scoped3A_261, %dma_wait3A_283] : memref<2x800xi32, #tpu.memory_space<vmem>> -> memref<1x800xi32, #tpu.memory_space<vmem>>
          %dma_wait3A_285 = tpu.memref_squeeze %dma_wait3A_284 : memref<1x800xi32, #tpu.memory_space<vmem>> -> memref<800xi32, #tpu.memory_space<vmem>>
          %dma_wait3A_286 = tpu.memref_slice %arg2[%mul3A_260] : memref<3276800xi32, #tpu.memory_space<hbm>> -> memref<800xi32, #tpu.memory_space<hbm>>
          %dma_wait3A_287 = arith.constant 0 : i32
          %dma_wait3A_288 = tpu.memref_slice %arg5[%run_scoped3A_261, %dma_wait3A_287] : memref<2x800xi32, #tpu.memory_space<vmem>> -> memref<1x800xi32, #tpu.memory_space<vmem>>
          %dma_wait3A_289 = tpu.memref_squeeze %dma_wait3A_288 : memref<1x800xi32, #tpu.memory_space<vmem>> -> memref<800xi32, #tpu.memory_space<vmem>>
          %dma_wait3A_290 = tpu.memref_slice %arg2[%mul3A_260] : memref<3276800xi32, #tpu.memory_space<hbm>> -> memref<800xi32, #tpu.memory_space<hbm>>
          tpu.wait_dma2 semaphore(%run_scoped3A_274 : memref<!tpu.dma_semaphore, #tpu.memory_space<semaphore_mem>>) src(%dma_wait3A_290 : memref<800xi32, #tpu.memory_space<hbm>>) dst(%dma_wait3A_289 : memref<800xi32, #tpu.memory_space<vmem>>)
          tpu.yield
        }) : () -> ()
        %dma_start3A_262 = arith.constant 0 : i32
        %dma_start3A_263 = arith.constant 0 : i32
        %dma_start3A_264 = arith.constant 0 : i32
        %dma_start3A_265 = arith.constant 0 : i32
        %dma_start3A_266 = tpu.memref_slice %arg6[%dma_start3A_263, %dma_start3A_264, %dma_start3A_265] : memref<2x800x32xf32, #tpu.memory_space<vmem>> -> memref<1x800x32xf32, #tpu.memory_space<vmem>>
        %dma_start3A_267 = tpu.memref_squeeze %dma_start3A_266 : memref<1x800x32xf32, #tpu.memory_space<vmem>> -> memref<800x32xf32, #tpu.memory_space<vmem>>
        %dma_start3A_268 = arith.constant 0 : i32
        %dma_start3A_269 = tpu.memref_slice %arg5[%dma_start3A_262, %dma_start3A_268] : memref<2x800xi32, #tpu.memory_space<vmem>> -> memref<1x800xi32, #tpu.memory_space<vmem>>
        %dma_start3A_270 = tpu.memref_squeeze %dma_start3A_269 : memref<1x800xi32, #tpu.memory_space<vmem>> -> memref<800xi32, #tpu.memory_space<vmem>>
        %dma_start3A_271 = arith.constant 0 : i32
        %dma_start3A_272 = arith.constant 0 : i32
        %dma_start3A_273 = tpu.memref_slice %arg3[%dma_start3A_271, %dma_start3A_272] : memref<1000000x32xf32, #tpu.memory_space<hbm>> -> memref<1000000x32xf32, #tpu.memory_space<hbm>>
        tpu.enqueue_indirect_dma source(%dma_start3A_273 : memref<1000000x32xf32, #tpu.memory_space<hbm>>) target(%dma_start3A_267 : memref<800x32xf32, #tpu.memory_space<vmem>>) offsets(%dma_start3A_270 : memref<800xi32, #tpu.memory_space<vmem>>) semaphore(%arg8 : memref<!tpu.dma_semaphore, #tpu.memory_space<semaphore_mem>>)
      } else {
      }
      %dma_wait3A_150 = arith.constant 1 : i32
      %dma_wait3A_151 = arith.constant 1 : i32
      %dma_wait3A_152 = arith.constant 0 : i32
      %dma_wait3A_153 = arith.constant 0 : i32
      %dma_wait3A_154 = tpu.memref_slice %arg6[%dma_wait3A_151, %dma_wait3A_152, %dma_wait3A_153] : memref<2x800x32xf32, #tpu.memory_space<vmem>> -> memref<1x800x32xf32, #tpu.memory_space<vmem>>
      %dma_wait3A_155 = tpu.memref_squeeze %dma_wait3A_154 : memref<1x800x32xf32, #tpu.memory_space<vmem>> -> memref<800x32xf32, #tpu.memory_space<vmem>>
      %dma_wait3A_156 = arith.constant 0 : i32
      %dma_wait3A_157 = tpu.memref_slice %arg5[%dma_wait3A_150, %dma_wait3A_156] : memref<2x800xi32, #tpu.memory_space<vmem>> -> memref<1x800xi32, #tpu.memory_space<vmem>>
      %dma_wait3A_158 = tpu.memref_squeeze %dma_wait3A_157 : memref<1x800xi32, #tpu.memory_space<vmem>> -> memref<800xi32, #tpu.memory_space<vmem>>
      %dma_wait3A_159 = arith.constant 0 : i32
      %dma_wait3A_160 = arith.constant 0 : i32
      %dma_wait3A_161 = tpu.memref_slice %arg3[%dma_wait3A_159, %dma_wait3A_160] : memref<1000000x32xf32, #tpu.memory_space<hbm>> -> memref<1000000x32xf32, #tpu.memory_space<hbm>>
      tpu.wait_indirect_dma semaphore(%arg9 : memref<!tpu.dma_semaphore, #tpu.memory_space<semaphore_mem>>) src(%dma_wait3A_161 : memref<1000000x32xf32, #tpu.memory_space<hbm>>) dst(%dma_wait3A_155 : memref<800x32xf32, #tpu.memory_space<vmem>>)
      %mul3A_162 = arith.constant 2 : i32
      %mul3A_163 = arith.muli %mul3A_162, %scan3A_27 : i32
      %add3A_164 = arith.constant 1 : i32
      %add3A_165 = arith.addi %mul3A_163, %add3A_164 : i32
      %scan3A_166 = arith.constant 0 : i32
      %scan3A_167 = arith.constant 100 : i32
      %scan3A_168 = arith.addi %scan3A_166, %scan3A_167 : i32
      %scan3A_169 = arith.constant 1 : i32
      %scan3A_170:8 = scf.for %scan3A_252 = %scan3A_166 to %scan3A_168 step %scan3A_169 iter_args(%scan3A_253 = %broadcast_in_dim3A_3, %scan3A_254 = %broadcast_in_dim3A_3, %scan3A_255 = %broadcast_in_dim3A_3, %scan3A_256 = %broadcast_in_dim3A_3, %scan3A_257 = %broadcast_in_dim3A_3, %scan3A_258 = %broadcast_in_dim3A_3, %scan3A_259 = %broadcast_in_dim3A_3, %scan3A_260 = %broadcast_in_dim3A_3) -> (vector<16xf32>, vector<16xf32>, vector<16xf32>, vector<16xf32>, vector<16xf32>, vector<16xf32>, vector<16xf32>, vector<16xf32>)  : i32 {
        %mul3A_261 = arith.constant 2 : i32
        %mul3A_262 = arith.muli %mul3A_261, %scan3A_252 : i32
        %add3A_263 = arith.constant 0 : i32
        %add3A_264 = arith.addi %add3A_263, %mul3A_262 : i32
        %get3A = arith.constant 1 : i32
        %get3A_265 = arith.index_cast %get3A : i32 to index
        %get3A_266 = arith.index_cast %add3A_264 : i32 to index
        %get3A_267 = arith.constant 0 : index
        %get3A_268 = tpu.vector_load %arg6[%get3A_265, %get3A_266, %get3A_267] {strides = array<i32>} : memref<2x800x32xf32, #tpu.memory_space<vmem>>, vector<1x1x16xf32>,
        %get3A_269 = vector.shape_cast %get3A_268 : vector<1x1x16xf32> to vector<16xf32>
        %add3A_270 = arith.addf %scan3A_253, %get3A_269 : vector<16xf32>
        %add3A_271 = arith.constant 0 : i32
        %add3A_272 = arith.addi %add3A_271, %mul3A_262 : i32
        %get3A_273 = arith.constant 1 : i32
        %get3A_274 = arith.index_cast %get3A_273 : i32 to index
        %get3A_275 = arith.index_cast %add3A_272 : i32 to index
        %get3A_276 = arith.constant 16 : index
        %get3A_277 = tpu.vector_load %arg6[%get3A_274, %get3A_275, %get3A_276] {strides = array<i32>} : memref<2x800x32xf32, #tpu.memory_space<vmem>>, vector<1x1x16xf32>,
        %get3A_278 = vector.shape_cast %get3A_277 : vector<1x1x16xf32> to vector<16xf32>
        %add3A_279 = arith.addf %scan3A_254, %get3A_278 : vector<16xf32>
        %add3A_280 = arith.constant 0 : i32
        %add3A_281 = arith.addi %add3A_280, %mul3A_262 : i32
        %add3A_282 = arith.constant 1 : i32
        %add3A_283 = arith.addi %add3A_281, %add3A_282 : i32
        %get3A_284 = arith.constant 1 : i32
        %get3A_285 = arith.index_cast %get3A_284 : i32 to index
        %get3A_286 = arith.index_cast %add3A_283 : i32 to index
        %get3A_287 = arith.constant 0 : index
        %get3A_288 = tpu.vector_load %arg6[%get3A_285, %get3A_286, %get3A_287] {strides = array<i32>} : memref<2x800x32xf32, #tpu.memory_space<vmem>>, vector<1x1x16xf32>,
        %get3A_289 = vector.shape_cast %get3A_288 : vector<1x1x16xf32> to vector<16xf32>
        %add3A_290 = arith.addf %add3A_270, %get3A_289 : vector<16xf32>
        %add3A_291 = arith.constant 0 : i32
        %add3A_292 = arith.addi %add3A_291, %mul3A_262 : i32
        %add3A_293 = arith.constant 1 : i32
        %add3A_294 = arith.addi %add3A_292, %add3A_293 : i32
        %get3A_295 = arith.constant 1 : i32
        %get3A_296 = arith.index_cast %get3A_295 : i32 to index
        %get3A_297 = arith.index_cast %add3A_294 : i32 to index
        %get3A_298 = arith.constant 16 : index
        %get3A_299 = tpu.vector_load %arg6[%get3A_296, %get3A_297, %get3A_298] {strides = array<i32>} : memref<2x800x32xf32, #tpu.memory_space<vmem>>, vector<1x1x16xf32>,
        %get3A_300 = vector.shape_cast %get3A_299 : vector<1x1x16xf32> to vector<16xf32>
        %add3A_301 = arith.addf %add3A_279, %get3A_300 : vector<16xf32>
        %mul3A_302 = arith.constant 2 : i32
        %mul3A_303 = arith.muli %mul3A_302, %scan3A_252 : i32
        %add3A_304 = arith.constant 200 : i32
        %add3A_305 = arith.addi %add3A_304, %mul3A_303 : i32
        %get3A_306 = arith.constant 1 : i32
        %get3A_307 = arith.index_cast %get3A_306 : i32 to index
        %get3A_308 = arith.index_cast %add3A_305 : i32 to index
        %get3A_309 = arith.constant 0 : index
        %get3A_310 = tpu.vector_load %arg6[%get3A_307, %get3A_308, %get3A_309] {strides = array<i32>} : memref<2x800x32xf32, #tpu.memory_space<vmem>>, vector<1x1x16xf32>,
        %get3A_311 = vector.shape_cast %get3A_310 : vector<1x1x16xf32> to vector<16xf32>
        %add3A_312 = arith.addf %scan3A_255, %get3A_311 : vector<16xf32>
        %add3A_313 = arith.constant 200 : i32
        %add3A_314 = arith.addi %add3A_313, %mul3A_303 : i32
        %get3A_315 = arith.constant 1 : i32
        %get3A_316 = arith.index_cast %get3A_315 : i32 to index
        %get3A_317 = arith.index_cast %add3A_314 : i32 to index
        %get3A_318 = arith.constant 16 : index
        %get3A_319 = tpu.vector_load %arg6[%get3A_316, %get3A_317, %get3A_318] {strides = array<i32>} : memref<2x800x32xf32, #tpu.memory_space<vmem>>, vector<1x1x16xf32>,
        %get3A_320 = vector.shape_cast %get3A_319 : vector<1x1x16xf32> to vector<16xf32>
        %add3A_321 = arith.addf %scan3A_256, %get3A_320 : vector<16xf32>
        %add3A_322 = arith.constant 200 : i32
        %add3A_323 = arith.addi %add3A_322, %mul3A_303 : i32
        %add3A_324 = arith.constant 1 : i32
        %add3A_325 = arith.addi %add3A_323, %add3A_324 : i32
        %get3A_326 = arith.constant 1 : i32
        %get3A_327 = arith.index_cast %get3A_326 : i32 to index
        %get3A_328 = arith.index_cast %add3A_325 : i32 to index
        %get3A_329 = arith.constant 0 : index
        %get3A_330 = tpu.vector_load %arg6[%get3A_327, %get3A_328, %get3A_329] {strides = array<i32>} : memref<2x800x32xf32, #tpu.memory_space<vmem>>, vector<1x1x16xf32>,
        %get3A_331 = vector.shape_cast %get3A_330 : vector<1x1x16xf32> to vector<16xf32>
        %add3A_332 = arith.addf %add3A_312, %get3A_331 : vector<16xf32>
        %add3A_333 = arith.constant 200 : i32
        %add3A_334 = arith.addi %add3A_333, %mul3A_303 : i32
        %add3A_335 = arith.constant 1 : i32
        %add3A_336 = arith.addi %add3A_334, %add3A_335 : i32
        %get3A_337 = arith.constant 1 : i32
        %get3A_338 = arith.index_cast %get3A_337 : i32 to index
        %get3A_339 = arith.index_cast %add3A_336 : i32 to index
        %get3A_340 = arith.constant 16 : index
        %get3A_341 = tpu.vector_load %arg6[%get3A_338, %get3A_339, %get3A_340] {strides = array<i32>} : memref<2x800x32xf32, #tpu.memory_space<vmem>>, vector<1x1x16xf32>,
        %get3A_342 = vector.shape_cast %get3A_341 : vector<1x1x16xf32> to vector<16xf32>
        %add3A_343 = arith.addf %add3A_321, %get3A_342 : vector<16xf32>
        %mul3A_344 = arith.constant 2 : i32
        %mul3A_345 = arith.muli %mul3A_344, %scan3A_252 : i32
        %add3A_346 = arith.constant 400 : i32
        %add3A_347 = arith.addi %add3A_346, %mul3A_345 : i32
        %get3A_348 = arith.constant 1 : i32
        %get3A_349 = arith.index_cast %get3A_348 : i32 to index
        %get3A_350 = arith.index_cast %add3A_347 : i32 to index
        %get3A_351 = arith.constant 0 : index
        %get3A_352 = tpu.vector_load %arg6[%get3A_349, %get3A_350, %get3A_351] {strides = array<i32>} : memref<2x800x32xf32, #tpu.memory_space<vmem>>, vector<1x1x16xf32>,
        %get3A_353 = vector.shape_cast %get3A_352 : vector<1x1x16xf32> to vector<16xf32>
        %add3A_354 = arith.addf %scan3A_257, %get3A_353 : vector<16xf32>
        %add3A_355 = arith.constant 400 : i32
        %add3A_356 = arith.addi %add3A_355, %mul3A_345 : i32
        %get3A_357 = arith.constant 1 : i32
        %get3A_358 = arith.index_cast %get3A_357 : i32 to index
        %get3A_359 = arith.index_cast %add3A_356 : i32 to index
        %get3A_360 = arith.constant 16 : index
        %get3A_361 = tpu.vector_load %arg6[%get3A_358, %get3A_359, %get3A_360] {strides = array<i32>} : memref<2x800x32xf32, #tpu.memory_space<vmem>>, vector<1x1x16xf32>,
        %get3A_362 = vector.shape_cast %get3A_361 : vector<1x1x16xf32> to vector<16xf32>
        %add3A_363 = arith.addf %scan3A_258, %get3A_362 : vector<16xf32>
        %add3A_364 = arith.constant 400 : i32
        %add3A_365 = arith.addi %add3A_364, %mul3A_345 : i32
        %add3A_366 = arith.constant 1 : i32
        %add3A_367 = arith.addi %add3A_365, %add3A_366 : i32
        %get3A_368 = arith.constant 1 : i32
        %get3A_369 = arith.index_cast %get3A_368 : i32 to index
        %get3A_370 = arith.index_cast %add3A_367 : i32 to index
        %get3A_371 = arith.constant 0 : index
        %get3A_372 = tpu.vector_load %arg6[%get3A_369, %get3A_370, %get3A_371] {strides = array<i32>} : memref<2x800x32xf32, #tpu.memory_space<vmem>>, vector<1x1x16xf32>,
        %get3A_373 = vector.shape_cast %get3A_372 : vector<1x1x16xf32> to vector<16xf32>
        %add3A_374 = arith.addf %add3A_354, %get3A_373 : vector<16xf32>
        %add3A_375 = arith.constant 400 : i32
        %add3A_376 = arith.addi %add3A_375, %mul3A_345 : i32
        %add3A_377 = arith.constant 1 : i32
        %add3A_378 = arith.addi %add3A_376, %add3A_377 : i32
        %get3A_379 = arith.constant 1 : i32
        %get3A_380 = arith.index_cast %get3A_379 : i32 to index
        %get3A_381 = arith.index_cast %add3A_378 : i32 to index
        %get3A_382 = arith.constant 16 : index
        %get3A_383 = tpu.vector_load %arg6[%get3A_380, %get3A_381, %get3A_382] {strides = array<i32>} : memref<2x800x32xf32, #tpu.memory_space<vmem>>, vector<1x1x16xf32>,
        %get3A_384 = vector.shape_cast %get3A_383 : vector<1x1x16xf32> to vector<16xf32>
        %add3A_385 = arith.addf %add3A_363, %get3A_384 : vector<16xf32>
        %mul3A_386 = arith.constant 2 : i32
        %mul3A_387 = arith.muli %mul3A_386, %scan3A_252 : i32
        %add3A_388 = arith.constant 600 : i32
        %add3A_389 = arith.addi %add3A_388, %mul3A_387 : i32
        %get3A_390 = arith.constant 1 : i32
        %get3A_391 = arith.index_cast %get3A_390 : i32 to index
        %get3A_392 = arith.index_cast %add3A_389 : i32 to index
        %get3A_393 = arith.constant 0 : index
        %get3A_394 = tpu.vector_load %arg6[%get3A_391, %get3A_392, %get3A_393] {strides = array<i32>} : memref<2x800x32xf32, #tpu.memory_space<vmem>>, vector<1x1x16xf32>,
        %get3A_395 = vector.shape_cast %get3A_394 : vector<1x1x16xf32> to vector<16xf32>
        %add3A_396 = arith.addf %scan3A_259, %get3A_395 : vector<16xf32>
        %add3A_397 = arith.constant 600 : i32
        %add3A_398 = arith.addi %add3A_397, %mul3A_387 : i32
        %get3A_399 = arith.constant 1 : i32
        %get3A_400 = arith.index_cast %get3A_399 : i32 to index
        %get3A_401 = arith.index_cast %add3A_398 : i32 to index
        %get3A_402 = arith.constant 16 : index
        %get3A_403 = tpu.vector_load %arg6[%get3A_400, %get3A_401, %get3A_402] {strides = array<i32>} : memref<2x800x32xf32, #tpu.memory_space<vmem>>, vector<1x1x16xf32>,
        %get3A_404 = vector.shape_cast %get3A_403 : vector<1x1x16xf32> to vector<16xf32>
        %add3A_405 = arith.addf %scan3A_260, %get3A_404 : vector<16xf32>
        %add3A_406 = arith.constant 600 : i32
        %add3A_407 = arith.addi %add3A_406, %mul3A_387 : i32
        %add3A_408 = arith.constant 1 : i32
        %add3A_409 = arith.addi %add3A_407, %add3A_408 : i32
        %get3A_410 = arith.constant 1 : i32
        %get3A_411 = arith.index_cast %get3A_410 : i32 to index
        %get3A_412 = arith.index_cast %add3A_409 : i32 to index
        %get3A_413 = arith.constant 0 : index
        %get3A_414 = tpu.vector_load %arg6[%get3A_411, %get3A_412, %get3A_413] {strides = array<i32>} : memref<2x800x32xf32, #tpu.memory_space<vmem>>, vector<1x1x16xf32>,
        %get3A_415 = vector.shape_cast %get3A_414 : vector<1x1x16xf32> to vector<16xf32>
        %add3A_416 = arith.addf %add3A_396, %get3A_415 : vector<16xf32>
        %add3A_417 = arith.constant 600 : i32
        %add3A_418 = arith.addi %add3A_417, %mul3A_387 : i32
        %add3A_419 = arith.constant 1 : i32
        %add3A_420 = arith.addi %add3A_418, %add3A_419 : i32
        %get3A_421 = arith.constant 1 : i32
        %get3A_422 = arith.index_cast %get3A_421 : i32 to index
        %get3A_423 = arith.index_cast %add3A_420 : i32 to index
        %get3A_424 = arith.constant 16 : index
        %get3A_425 = tpu.vector_load %arg6[%get3A_422, %get3A_423, %get3A_424] {strides = array<i32>} : memref<2x800x32xf32, #tpu.memory_space<vmem>>, vector<1x1x16xf32>,
        %get3A_426 = vector.shape_cast %get3A_425 : vector<1x1x16xf32> to vector<16xf32>
        %add3A_427 = arith.addf %add3A_405, %get3A_426 : vector<16xf32>
        scf.yield %add3A_290, %add3A_301, %add3A_332, %add3A_343, %add3A_374, %add3A_385, %add3A_416, %add3A_427 : vector<16xf32>, vector<16xf32>, vector<16xf32>, vector<16xf32>, vector<16xf32>, vector<16xf32>, vector<16xf32>, vector<16xf32>
      }
      %scan3A_171 = arith.constant 100 : i32
      %mul3A_172 = arith.constant 4 : i32
      %mul3A_173 = arith.muli %add3A_165, %mul3A_172 : i32
      %add3A_174 = arith.constant 0 : i32
      %add3A_175 = arith.addi %mul3A_173, %add3A_174 : i32
      %mul3A_176 = arith.constant 32 : i32
      %mul3A_177 = arith.muli %add3A_175, %mul3A_176 : i32
      %mul3A_178 = vector.broadcast %scan3A_19 : f32 to vector<16xf32>
      %mul3A_179 = arith.mulf %scan3A_170#0, %mul3A_178 : vector<16xf32>
      %swap3A_180 = arith.index_cast %mul3A_177 : i32 to index
      %swap3A_181 = tpu.vector_load %arg7[%swap3A_180] {strides = array<i32>} : memref<16384xf32, #tpu.memory_space<vmem>>, vector<16xf32>,
      %swap3A_182 = vector.shape_cast %swap3A_181 : vector<16xf32> to vector<16xf32>
      %swap3A_183 = vector.shape_cast %mul3A_179 : vector<16xf32> to vector<16xf32>
      tpu.vector_store %arg7[%swap3A_180], %swap3A_183 {strides = array<i32>} : memref<16384xf32, #tpu.memory_space<vmem>>, vector<16xf32>,
      %mul3A_184 = vector.broadcast %scan3A_19 : f32 to vector<16xf32>
      %mul3A_185 = arith.mulf %scan3A_170#1, %mul3A_184 : vector<16xf32>
      %add3A_186 = arith.constant 16 : i32
      %add3A_187 = arith.addi %mul3A_177, %add3A_186 : i32
      %swap3A_188 = arith.index_cast %add3A_187 : i32 to index
      %swap3A_189 = tpu.vector_load %arg7[%swap3A_188] {strides = array<i32>} : memref<16384xf32, #tpu.memory_space<vmem>>, vector<16xf32>,
      %swap3A_190 = vector.shape_cast %swap3A_189 : vector<16xf32> to vector<16xf32>
      %swap3A_191 = vector.shape_cast %mul3A_185 : vector<16xf32> to vector<16xf32>
      tpu.vector_store %arg7[%swap3A_188], %swap3A_191 {strides = array<i32>} : memref<16384xf32, #tpu.memory_space<vmem>>, vector<16xf32>,
      %mul3A_192 = arith.constant 4 : i32
      %mul3A_193 = arith.muli %add3A_165, %mul3A_192 : i32
      %add3A_194 = arith.constant 1 : i32
      %add3A_195 = arith.addi %mul3A_193, %add3A_194 : i32
      %mul3A_196 = arith.constant 32 : i32
      %mul3A_197 = arith.muli %add3A_195, %mul3A_196 : i32
      %mul3A_198 = vector.broadcast %scan3A_19 : f32 to vector<16xf32>
      %mul3A_199 = arith.mulf %scan3A_170#2, %mul3A_198 : vector<16xf32>
      %swap3A_200 = arith.index_cast %mul3A_197 : i32 to index
      %swap3A_201 = tpu.vector_load %arg7[%swap3A_200] {strides = array<i32>} : memref<16384xf32, #tpu.memory_space<vmem>>, vector<16xf32>,
      %swap3A_202 = vector.shape_cast %swap3A_201 : vector<16xf32> to vector<16xf32>
      %swap3A_203 = vector.shape_cast %mul3A_199 : vector<16xf32> to vector<16xf32>
      tpu.vector_store %arg7[%swap3A_200], %swap3A_203 {strides = array<i32>} : memref<16384xf32, #tpu.memory_space<vmem>>, vector<16xf32>,
      %mul3A_204 = vector.broadcast %scan3A_19 : f32 to vector<16xf32>
      %mul3A_205 = arith.mulf %scan3A_170#3, %mul3A_204 : vector<16xf32>
      %add3A_206 = arith.constant 16 : i32
      %add3A_207 = arith.addi %mul3A_197, %add3A_206 : i32
      %swap3A_208 = arith.index_cast %add3A_207 : i32 to index
      %swap3A_209 = tpu.vector_load %arg7[%swap3A_208] {strides = array<i32>} : memref<16384xf32, #tpu.memory_space<vmem>>, vector<16xf32>,
      %swap3A_210 = vector.shape_cast %swap3A_209 : vector<16xf32> to vector<16xf32>
      %swap3A_211 = vector.shape_cast %mul3A_205 : vector<16xf32> to vector<16xf32>
      tpu.vector_store %arg7[%swap3A_208], %swap3A_211 {strides = array<i32>} : memref<16384xf32, #tpu.memory_space<vmem>>, vector<16xf32>,
      %mul3A_212 = arith.constant 4 : i32
      %mul3A_213 = arith.muli %add3A_165, %mul3A_212 : i32
      %add3A_214 = arith.constant 2 : i32
      %add3A_215 = arith.addi %mul3A_213, %add3A_214 : i32
      %mul3A_216 = arith.constant 32 : i32
      %mul3A_217 = arith.muli %add3A_215, %mul3A_216 : i32
      %mul3A_218 = vector.broadcast %scan3A_19 : f32 to vector<16xf32>
      %mul3A_219 = arith.mulf %scan3A_170#4, %mul3A_218 : vector<16xf32>
      %swap3A_220 = arith.index_cast %mul3A_217 : i32 to index
      %swap3A_221 = tpu.vector_load %arg7[%swap3A_220] {strides = array<i32>} : memref<16384xf32, #tpu.memory_space<vmem>>, vector<16xf32>,
      %swap3A_222 = vector.shape_cast %swap3A_221 : vector<16xf32> to vector<16xf32>
      %swap3A_223 = vector.shape_cast %mul3A_219 : vector<16xf32> to vector<16xf32>
      tpu.vector_store %arg7[%swap3A_220], %swap3A_223 {strides = array<i32>} : memref<16384xf32, #tpu.memory_space<vmem>>, vector<16xf32>,
      %mul3A_224 = vector.broadcast %scan3A_19 : f32 to vector<16xf32>
      %mul3A_225 = arith.mulf %scan3A_170#5, %mul3A_224 : vector<16xf32>
      %add3A_226 = arith.constant 16 : i32
      %add3A_227 = arith.addi %mul3A_217, %add3A_226 : i32
      %swap3A_228 = arith.index_cast %add3A_227 : i32 to index
      %swap3A_229 = tpu.vector_load %arg7[%swap3A_228] {strides = array<i32>} : memref<16384xf32, #tpu.memory_space<vmem>>, vector<16xf32>,
      %swap3A_230 = vector.shape_cast %swap3A_229 : vector<16xf32> to vector<16xf32>
      %swap3A_231 = vector.shape_cast %mul3A_225 : vector<16xf32> to vector<16xf32>
      tpu.vector_store %arg7[%swap3A_228], %swap3A_231 {strides = array<i32>} : memref<16384xf32, #tpu.memory_space<vmem>>, vector<16xf32>,
      %mul3A_232 = arith.constant 4 : i32
      %mul3A_233 = arith.muli %add3A_165, %mul3A_232 : i32
      %add3A_234 = arith.constant 3 : i32
      %add3A_235 = arith.addi %mul3A_233, %add3A_234 : i32
      %mul3A_236 = arith.constant 32 : i32
      %mul3A_237 = arith.muli %add3A_235, %mul3A_236 : i32
      %mul3A_238 = vector.broadcast %scan3A_19 : f32 to vector<16xf32>
      %mul3A_239 = arith.mulf %scan3A_170#6, %mul3A_238 : vector<16xf32>
      %swap3A_240 = arith.index_cast %mul3A_237 : i32 to index
      %swap3A_241 = tpu.vector_load %arg7[%swap3A_240] {strides = array<i32>} : memref<16384xf32, #tpu.memory_space<vmem>>, vector<16xf32>,
      %swap3A_242 = vector.shape_cast %swap3A_241 : vector<16xf32> to vector<16xf32>
      %swap3A_243 = vector.shape_cast %mul3A_239 : vector<16xf32> to vector<16xf32>
      tpu.vector_store %arg7[%swap3A_240], %swap3A_243 {strides = array<i32>} : memref<16384xf32, #tpu.memory_space<vmem>>, vector<16xf32>,
      %mul3A_244 = vector.broadcast %scan3A_19 : f32 to vector<16xf32>
      %mul3A_245 = arith.mulf %scan3A_170#7, %mul3A_244 : vector<16xf32>
      %add3A_246 = arith.constant 16 : i32
      %add3A_247 = arith.addi %mul3A_237, %add3A_246 : i32
      %swap3A_248 = arith.index_cast %add3A_247 : i32 to index
      %swap3A_249 = tpu.vector_load %arg7[%swap3A_248] {strides = array<i32>} : memref<16384xf32, #tpu.memory_space<vmem>>, vector<16xf32>,
      %swap3A_250 = vector.shape_cast %swap3A_249 : vector<16xf32> to vector<16xf32>
      %swap3A_251 = vector.shape_cast %mul3A_245 : vector<16xf32> to vector<16xf32>
      tpu.vector_store %arg7[%swap3A_248], %swap3A_251 {strides = array<i32>} : memref<16384xf32, #tpu.memory_space<vmem>>, vector<16xf32>,
    }
    %scan3A_24 = arith.constant 64 : i32
    %mul3A_25 = arith.constant 32 : i32
    %mul3A_26 = arith.muli %mul3A_2, %mul3A_25 : i32
    "tpu.region"() ({
      %run_scoped3A_27 = tpu.sem_alloc : memref<!tpu.dma_semaphore, #tpu.memory_space<semaphore_mem>>
      %dma_start3A_28 = tpu.memref_slice %arg4[%mul3A_26] : memref<524288xf32, #tpu.memory_space<hbm>> -> memref<16384xf32, #tpu.memory_space<hbm>>
      %dma_start3A_29 = tpu.memref_slice %arg4[%mul3A_26] : memref<524288xf32, #tpu.memory_space<hbm>> -> memref<16384xf32, #tpu.memory_space<hbm>>
      tpu.enqueue_dma source(%arg7 : memref<16384xf32, #tpu.memory_space<vmem>>) target(%dma_start3A_29 : memref<16384xf32, #tpu.memory_space<hbm>>) target_semaphore(%run_scoped3A_27 : memref<!tpu.dma_semaphore, #tpu.memory_space<semaphore_mem>>)
      %dma_wait3A = tpu.memref_slice %arg4[%mul3A_26] : memref<524288xf32, #tpu.memory_space<hbm>> -> memref<16384xf32, #tpu.memory_space<hbm>>
      %dma_wait3A_30 = tpu.memref_slice %arg4[%mul3A_26] : memref<524288xf32, #tpu.memory_space<hbm>> -> memref<16384xf32, #tpu.memory_space<hbm>>
      tpu.wait_dma2 semaphore(%run_scoped3A_27 : memref<!tpu.dma_semaphore, #tpu.memory_space<semaphore_mem>>) src(%arg7 : memref<16384xf32, #tpu.memory_space<vmem>>) dst(%dma_wait3A_30 : memref<16384xf32, #tpu.memory_space<hbm>>)
      tpu.yield
    }) : () -> ()
    return
  }
}

module attributes {stable_mosaic.version = 14 : i64} {
  func.func @_mlp_body(%arg0: i32, %arg1: memref<1024x32xf32, #tpu.memory_space<vmem>>, %arg2: memref<32x128xf32, #tpu.memory_space<vmem>>, %arg3: memref<1x128xf32, #tpu.memory_space<vmem>>, %arg4: memref<128x128xf32, #tpu.memory_space<vmem>>, %arg5: memref<1x128xf32, #tpu.memory_space<vmem>>, %arg6: memref<1024x128xf32, #tpu.memory_space<vmem>>) attributes {dimension_semantics = [#tpu.dimension_semantics<arbitrary>], iteration_bounds = array<i64: 16>, scalar_prefetch = 0 : i64, scratch_operands = 0 : i64, tpu.core_type = #tpu.core_type<tc>, window_params = [{transform_indices = @transform_0, window_bounds = array<i64: 1024, 32>}, {pipeline_mode = #tpu.pipeline_mode<synchronous>, transform_indices = @transform_1, window_bounds = array<i64: 32, 128>}, {pipeline_mode = #tpu.pipeline_mode<synchronous>, transform_indices = @transform_2, window_bounds = array<i64: 1, 128>}, {pipeline_mode = #tpu.pipeline_mode<synchronous>, transform_indices = @transform_3, window_bounds = array<i64: 128, 128>}, {pipeline_mode = #tpu.pipeline_mode<synchronous>, transform_indices = @transform_4, window_bounds = array<i64: 1, 128>}, {transform_indices = @transform_5, window_bounds = array<i64: 1024, 128>}]} {
    %get3A = arith.constant 0 : index
    %get3A_0 = arith.constant 0 : index
    %get3A_1 = vector.load %arg1[%get3A, %get3A_0] : memref<1024x32xf32, #tpu.memory_space<vmem>>, vector<1024x32xf32>
    %get3A_2 = arith.constant 0 : index
    %get3A_3 = arith.constant 0 : index
    %get3A_4 = vector.load %arg2[%get3A_2, %get3A_3] : memref<32x128xf32, #tpu.memory_space<vmem>>, vector<32x128xf32>
    %dot_general3A = arith.constant dense<0.000000e+00> : vector<1024x128xf32>
    %dot_general3A_5 = tpu.matmul %get3A_1, %get3A_4, %dot_general3A {dimension_numbers = #tpu.dot_dimension_numbers<[1], [0], [0], [1], [0, 0, 1, 1], [], []>, transpose_lhs_hint = false} : vector<1024x32xf32>, vector<32x128xf32>, vector<1024x128xf32> -> vector<1024x128xf32>
    %get3A_6 = arith.constant 0 : index
    %get3A_7 = arith.constant 0 : index
    %get3A_8 = vector.load %arg3[%get3A_6, %get3A_7] : memref<1x128xf32, #tpu.memory_space<vmem>>, vector<1x128xf32>
    %add3A = vector.broadcast %get3A_8 : vector<1x128xf32> to vector<1024x128xf32>
    %add3A_9 = arith.addf %dot_general3A_5, %add3A : vector<1024x128xf32>
    %max3A = arith.constant 0.000000e+00 : f32
    %max3A_10 = vector.broadcast %max3A : f32 to vector<1024x128xf32>
    %max3A_11 = arith.maximumf %add3A_9, %max3A_10 : vector<1024x128xf32>
    %get3A_12 = arith.constant 0 : index
    %get3A_13 = arith.constant 0 : index
    %get3A_14 = vector.load %arg4[%get3A_12, %get3A_13] : memref<128x128xf32, #tpu.memory_space<vmem>>, vector<128x128xf32>
    %dot_general3A_15 = arith.constant dense<0.000000e+00> : vector<1024x128xf32>
    %dot_general3A_16 = tpu.matmul %max3A_11, %get3A_14, %dot_general3A_15 {dimension_numbers = #tpu.dot_dimension_numbers<[1], [0], [0], [1], [0, 0, 1, 1], [], []>, transpose_lhs_hint = false} : vector<1024x128xf32>, vector<128x128xf32>, vector<1024x128xf32> -> vector<1024x128xf32>
    %get3A_17 = arith.constant 0 : index
    %get3A_18 = arith.constant 0 : index
    %get3A_19 = vector.load %arg5[%get3A_17, %get3A_18] : memref<1x128xf32, #tpu.memory_space<vmem>>, vector<1x128xf32>
    %add3A_20 = vector.broadcast %get3A_19 : vector<1x128xf32> to vector<1024x128xf32>
    %add3A_21 = arith.addf %dot_general3A_16, %add3A_20 : vector<1024x128xf32>
    %swap3A = arith.constant 0 : index
    %swap3A_22 = arith.constant 0 : index
    %swap3A_23 = vector.load %arg6[%swap3A, %swap3A_22] : memref<1024x128xf32, #tpu.memory_space<vmem>>, vector<1024x128xf32>
    tpu.vector_store %arg6[%swap3A, %swap3A_22], %add3A_21 {strides = array<i32>} : memref<1024x128xf32, #tpu.memory_space<vmem>>, vector<1024x128xf32>,
    return
  }
  func.func @transform_0(%arg0: i32) -> (i32, i32) {
    %c0_i32 = arith.constant 0 : i32
    %c0_i32_0 = arith.constant 0 : i32
    return %arg0, %c0_i32 : i32, i32
  }
  func.func @transform_1(%arg0: i32) -> (i32, i32) {
    %c0_i32 = arith.constant 0 : i32
    %c0_i32_0 = arith.constant 0 : i32
    %c0_i32_1 = arith.constant 0 : i32
    return %c0_i32, %c0_i32_0 : i32, i32
  }
  func.func @transform_2(%arg0: i32) -> (i32, i32) {
    %c0_i32 = arith.constant 0 : i32
    %c0_i32_0 = arith.constant 0 : i32
    %c0_i32_1 = arith.constant 0 : i32
    return %c0_i32, %c0_i32_0 : i32, i32
  }
  func.func @transform_3(%arg0: i32) -> (i32, i32) {
    %c0_i32 = arith.constant 0 : i32
    %c0_i32_0 = arith.constant 0 : i32
    %c0_i32_1 = arith.constant 0 : i32
    return %c0_i32, %c0_i32_0 : i32, i32
  }
  func.func @transform_4(%arg0: i32) -> (i32, i32) {
    %c0_i32 = arith.constant 0 : i32
    %c0_i32_0 = arith.constant 0 : i32
    %c0_i32_1 = arith.constant 0 : i32
    return %c0_i32, %c0_i32_0 : i32, i32
  }
  func.func @transform_5(%arg0: i32) -> (i32, i32) {
    %c0_i32 = arith.constant 0 : i32
    %c0_i32_0 = arith.constant 0 : i32
    return %arg0, %c0_i32 : i32, i32
  }
}

</mosaic_0001>

<sc_bundles>
// kernel: kernel.4.cloned.1.call-start
scs
__scs_entry_jumppad:
0x0: {  	(pc) =	sbr.rel $0x88, $3  }
0x1: {  	(tag) =	ssettag $0x0;
	lr =	simm.s32 $0x1  }
0x2: {  	[smem:$0x3F9B] =	sst lr;
	_ =	strace $0xD0000000  }
0x3: {  	_ = 	snop  }
0x4: {  	_ = 	snop  }
0x5: {  	_ = 	snop  }
0x6: {  	_ = 	snop  }
0x7: {  	_ = 	snop  }
__scs_overlays_trampoline_lowered:
0x8: {  	[smem:$0x3FAA] =	sst s0  }
0x9: {  	[smem:$0x3FAB] =	sst s1  }
0xa: {  	[smem:$0x3FAC] =	sst s2  }
0xb: {  	[smem:$0x3FAD] =	sst s3  }
0xc: {  	[smem:$0x3FAE] =	sst s4  }
0xd: {  	[smem:$0x3FAF] =	sst s5  }
0xe: {  	[smem:$0x3FB0] =	sst s6  }
0xf: {  	[smem:$0x3FB1] =	sst s7  }
0x10: {  	[smem:$0x3FB2] =	sst s8  }
0x11: {  	[smem:$0x3FB3] =	sst s9;
	s0 =	simm.s32 @!p0 $0x0  }
0x12: {  	s1 =	sld [smem:$0x3F99];
	s0 =	simm.s32 @p0 $0x1  }
0x13: {  	[smem:$0x3FB4] =	sst s0;
	s0 =	simm.s32 @!p1 $0x0  }
0x14: {  	s2 =	sld [smem:$0x3F98];
	s0 =	simm.s32 @p1 $0x1  }
0x15: {  	[smem:$0x3FB5] =	sst s0;
	s0 =	simm.s32 @!p2 $0x0  }
0x16: {  	s3 =	sld [smem:$0x3FDB];
	s0 =	simm.s32 @p2 $0x1  }
0x17: {  	s4 =	simm.s32 $0x1BF5;
	[smem:$0x3FB7] =	sst s0  }
0x18: {  	s0 =	sld [smem:$0x3F9A];
	_ =	swait.ge [sflag:s4], $0x0  }
0x19: {  	s7 =	sld [smem:$0x3F9B]  }
0x1a: {  	s8 =	sadd.s32 $0xFFFFE003, lr  }
0x1b: {  	s9 =	sadd.s32 $0xFFFFFEF7, lr;
	s5 =	simm.s32 $0xFFFFFFFF;
	p2 =	slt.u32 s8, $0xFFFFF086  }
0x1c: {  	p1 =	slt.u32 s9, $0xF7A;
	s5 =	simm.s32 @!p2 $0x0  }
0x1d: {  	s5 =	simm.s32 @p1 $0x1;
	p0 =	seq.s32 s7, s2  }
0x1e: {  	s7 =	smul.u32 @!p0 $0xF7A, s2;
	p2 =	seq.s32 @!p0 s5, $0x0  }
0x1f: {  	s9 =	smul.u32 $0xF7A, s1;
	s8 =	simm.s32 @!p0 $0x1BF5;
	p2 =	por !p2, p0  }
0x20: {  	[sflag:s8] =	ssyncset.s32 @!p0 $0xFFFFF086;
	s6 =	sadd.s32 @!p0 s3, s7;
	s7 =	simm.s32 @!p0 $0x108  }
0x21: {  	s3 =	sadd.s32 s3, s9;
	s6 =	sadd.s32 @!p0 $0x88, s6;
	s7 =	simm.s32 @p2 $0x1082  }
0x22: {  	[simem:s7], [sflag:s8] =	dma.local @!p0 [hbm:s6], $0xF7A  }
0x23: {  	s9 =	sor.u32 $0xD0000000, s2;
	s6 =	simm.s32 $0x108;
	_ =	swait.ge @!p0 [sflag:s8], $0x0  }
0x24: {  	s3 =	sadd.s32 $0x88, s3;
	s6 =	simm.s32 @!p1 $0x1082;
	[sflag:s4] =	ssyncset.s32 $0xFFFFF086  }
0x25: {  	[simem:s6], [sflag:s4] =	dma.local [hbm:s3], $0xF7A  }
0x26: {  	[smem:$0x3F9B] =	sst s1;
	(tag) =	ssettag s2;
	_ =	strace s9  }
0x27: {  	s1 =	sld [smem:$0x3FAB]  }
0x28: {  	s2 =	sld [smem:$0x3FAC]  }
0x29: {  	s4 =	sld [smem:$0x3FAE]  }
0x2a: {  	p0 =	seq.s32 s5, $0x0;
	s5 =	sld [smem:$0x3FAF]  }
0x2b: {  	s6 =	sld [smem:$0x3FB0]  }
0x2c: {  	s7 =	sld [smem:$0x3FB1]  }
0x2d: {  	s3 =	simm.s32 $0x108;
	s8 =	sld [smem:$0x3FB2]  }
0x2e: {  	s3 =	simm.s32 @!p0 $0x1082;
	s9 =	sld [smem:$0x3FB3]  }
0x2f: {  	lr =	sadd.s32 s0, s3;
	s0 =	sld [smem:$0x3FAA]  }
0x30: {  	s3 =	sld [smem:$0x3FAD]  }
0x31: {  	[smem:$0x3FB6] =	sst s10  }
0x32: {  	s10 =	sld [smem:$0x3FB4];
	_ =	sdelay $0x3  }
0x33: {  	p0 =	seq.s32 s10, $0x1;
	s10 =	sld [smem:$0x3FB6];
	_ =	sdelay $0x3  }
0x34: {  	[smem:$0x3FB6] =	sst s10  }
0x35: {  	s10 =	sld [smem:$0x3FB5];
	_ =	sdelay $0x3  }
0x36: {  	p1 =	seq.s32 s10, $0x1;
	s10 =	sld [smem:$0x3FB6];
	_ =	sdelay $0x3  }
0x37: {  	[smem:$0x3FB6] =	sst s10  }
0x38: {  	s10 =	sld [smem:$0x3FB7]  }
0x39: {  	_ = 	snop;
	(pc) =	sbr.ind lr, $3  }
0x3a: {  	_ = 	snop  }
0x3b: {  	_ = 	snop  }
0x3c: {  	p2 =	seq.s32 s10, $0x1;
	s10 =	sld [smem:$0x3FB6]  }
0x3d: {  	_ =	shalt  }
0x3e: {  	_ =	shalt  }
0x3f: {  	_ =	shalt  }
0x40: {  	_ =	shalt  }
0x41: {  	_ =	shalt  }
0x42: {  	_ =	shalt  }
0x43: {  	_ =	shalt  }
0x44: {  	_ =	shalt  }
0x45: {  	_ =	shalt  }
0x46: {  	_ =	shalt  }
0x47: {  	_ =	shalt  }
0x48: {  	_ =	shalt  }
0x49: {  	_ =	shalt  }
0x4a: {  	_ =	shalt  }
0x4b: {  	_ =	shalt  }
0x4c: {  	_ =	shalt  }
0x4d: {  	_ =	shalt  }
0x4e: {  	_ =	shalt  }
0x4f: {  	_ =	shalt  }
0x50: {  	_ =	shalt  }
0x51: {  	_ =	shalt  }
0x52: {  	_ =	shalt  }
0x53: {  	_ =	shalt  }
0x54: {  	_ =	shalt  }
0x55: {  	_ =	shalt  }
0x56: {  	_ =	shalt  }
0x57: {  	_ =	shalt  }
0x58: {  	_ =	shalt  }
0x59: {  	_ =	shalt  }
0x5a: {  	_ =	shalt  }
0x5b: {  	_ =	shalt  }
0x5c: {  	_ =	shalt  }
0x5d: {  	_ =	shalt  }
0x5e: {  	_ =	shalt  }
0x5f: {  	_ =	shalt  }
0x60: {  	_ =	shalt  }
0x61: {  	_ =	shalt  }
0x62: {  	_ =	shalt  }
0x63: {  	_ =	shalt  }
0x64: {  	_ =	shalt  }
0x65: {  	_ =	shalt  }
0x66: {  	_ =	shalt  }
0x67: {  	_ =	shalt  }
0x68: {  	_ =	shalt  }
0x69: {  	_ =	shalt  }
0x6a: {  	_ =	shalt  }
0x6b: {  	_ =	shalt  }
0x6c: {  	_ =	shalt  }
0x6d: {  	_ =	shalt  }
0x6e: {  	_ =	shalt  }
0x6f: {  	_ =	shalt  }
0x70: {  	_ =	shalt  }
0x71: {  	_ =	shalt  }
0x72: {  	_ =	shalt  }
0x73: {  	_ =	shalt  }
0x74: {  	_ =	shalt  }
0x75: {  	_ =	shalt  }
0x76: {  	_ =	shalt  }
0x77: {  	_ =	shalt  }
0x78: {  	_ =	shalt  }
0x79: {  	_ =	shalt  }
0x7a: {  	_ =	shalt  }
0x7b: {  	_ =	shalt  }
0x7c: {  	_ =	shalt  }
0x7d: {  	_ =	shalt  }
0x7e: {  	_ =	shalt  }
0x7f: {  	_ =	shalt  }
0x80: {  	_ =	shalt  }
0x81: {  	_ =	shalt  }
0x82: {  	_ =	shalt  }
0x83: {  	_ =	shalt  }
0x84: {  	_ =	shalt  }
0x85: {  	_ =	shalt  }
0x86: {  	_ =	shalt  }
0x87: {  	_ =	shalt  }
.Lfunc_end0:
.L_simem_size_0:
called_computation_lowered:
.L_overlay_start_0:
0x88: {  	s2 =	sld [smem:$0x3FD9]  }
0x89: {  	s3 =	sld [smem:$0x3FFE];
	_ =	sdelay $0x1  }
0x8a: {  	s1 =	srdreg.scid  }
0x8b: {  	s0 =	sand.u32 $0x1, s1  }
0x8c: {  	s16 =	sshll.u32 s0, $0xA;
	s2 =	sadd.s32 s3, s2  }
0x8d: {  	s2 =	sadd.s32 s2, s16  }
0x8e: {  	[smem:$0x3FC2] =	sst s2  }
0x8f: {  	_ = 	snop  }
0x90: {  	(tm) =	ssettm $0x1  }
0x91: {  	s17 =	sld [smem:$0x3FFB];
	_ =	sdelay $0x3  }
0x92: {  	_ =	strace s17  }
0x93: {  	s2 =	sld [smem:$0x3FFC];
	_ =	sdelay $0x3  }
0x94: {  	_ =	strace s2  }
0x95: {  	s2 =	sld [smem:$0x3FFD];
	_ =	sdelay $0x3  }
0x96: {  	_ =	strace s2  }
0x97: {  	_ =	strace $0x8FFFFFFF  }
0x98: {  	s18 =	sld [smem:$0x3FDB];
	_ =	sdelay $0x1  }
0x99: {  	s19 =	simm.s32 $_scs_section_size  }
0x9a: {  	s4 =	simm.s32 $_size__tile_overlayer_lowered;
	s5 =	simm.s32 $_tile_overlayer_lowered  }
0x9b: {  	s22 =	simm.s32 $0x1BFF;
	s21 =	sshll.u32 s5, $0x1;
	s2 =	sadd.s32 s19, s18  }
0x9c: {  	s6 =	simm.s32 $0x0;
	s20 =	sshll.u32 s4, $0x1;
	s4 =	sadd.s32 s21, s2  }
0x9d: {  	[timem:s6], [sflag:s22] =	dma.local [hbm:s4], s20  }
0x9e: {  	_ =	swait.ge [sflag:s22], s20  }
0x9f: {  	s3 =	ssub.s32 $0x0, s20;
	[sflag:s22] =	ssyncset.done $0x0  }
0xa0: {  	[sflag:s22] =	ssyncadd.s32 s3;
	_ =	sdelay $0x1  }
0xa1: {  	s23 =	simm.s32 $0x1B8B  }
0xa2: {  	_ =	swait.ge [sflag:s23], $0x1  }
0xa3: {  	[sflag:s23] =	ssyncset.done $0x0  }
0xa4: {  	s25 =	simm.s32 $0x1B8E;
	s24 =	sld [smem:$0x3FFE];
	[sflag:s23] =	ssyncadd.s32 $0xFFFFFFFF  }
0xa5: {  	s26 =	simm.s32 $execute0_lowered;
	[smem:$0x3FD2] =	sst s25  }
0xa6: {  	s4 =	sshll.u32 s26, $0x1;
	_ =	strace $0x80000046;
	[dreg:$0x1] =	wrdreg $0xFFFFFFFF  }
0xa7: {  	s28 =	simm.s32 $_size_execute0_lowered;
	s2 =	sadd.s32 s2, s4;
	[dreg:$0x0] =	wrdreg $0x0  }
0xa8: {  	s4 =	sshll.u32 s28, $0x1;
	[dreg:$0x2] =	wrdreg s2  }
0xa9: {  	[dreg:$0x3] =	wrdreg s4  }
0xaa: {  	[dreg:$0x4] =	wrdreg $0xC0  }
0xab: {  	_ =	task [dreg:s6], $0x5FFFF  }
0xac: {  	[dreg:$0x1] =	wrdreg $0xFFFFFFFF  }
0xad: {  	[dreg:$0x0] =	wrdreg $0x60  }
0xae: {  	[dreg:$0x2] =	wrdreg s24  }
0xaf: {  	[dreg:$0x3] =	wrdreg $0x9  }
0xb0: {  	_ =	task.clear_ibuf [dreg:s6], $0x4FFFF;
	_ =	strace $0x90000046  }
0xb1: {  	s29 =	simm.s32 $0x9;
	_ =	strace $0x80000048  }
0xb2: {  	_ =	swait.ge [sflag:s29], $0x1  }
0xb3: {  	[sflag:s29] =	ssyncadd.s32 $0xFFFFFFFF  }
0xb4: {  	_ =	strace $0x90000048  }
0xb5: {  	_ =	sfence  }
0xb6: {  	s30 =	sld [smem:$0x0];
	_ =	sdelay $0x2  }
0xb7: {  	s31 =	sshll.u32 s1, $0xD;
	s1 =	sshrl.u32 s1, $0x2  }
0xb8: {  	s3 =	sand.u32 $0x4000, s31;
	s1 =	sadd.s32 s1, s30  }
0xb9: {  	s0 =	sor.u32 s3, s0;
	s1 =	sshll.u32 s1, $0x11  }
0xba: {  	s0 =	sor.u32 s1, s0  }
0xbb: {  	s0 =	sadd.s32 $0x8F2B, s0  }
0xbc: {  	[sflag:s0] =	ssyncadd.remote.s32 $0x1  }
0xbd: {  	_ =	sfence.sel $0xFFFF  }
0xbe: {  	[dreg:$0x0] =	wrdreg $0xFFFFFFFF;
	(pc) =	sbr.abs _section_cstart, $3  }
0xbf: {  	[dreg:$0x1] =	wrdreg $0xFFFFFFFF  }
0xc0: {  	_ =	task.clear_ibuf [dreg:s6], $0x2FFFF;
	_ =	strace $0x9FFFFFFF  }
0xc1: {  	(tm) =	ssettm $0x7FFFFFFF  }
tec
execute0_lowered:
.L_overlay_start_1:
0x0: {  	(tag) =	ssettag $0x1  }
0x1: {  	s5 =	rddreg [dreg:$0x0]  }
0x2: {  	s0 =	rddreg [dreg:$0x1];
	s2 =	simm.s32 $0x0;
	s4 =	srdreg.scid  }
0x3: {  	s1 =	stileid.u32;
	s11 =	simm.s32 $0x320;
	s12 =	simm.s32 $0x640  }
0x4: {  	s13 =	simm.s32 $0x6A40;
	s14 =	simm.s32 $0x1;
	s15 =	simm.s32 $0x2  }
0x5: {  	s16 =	simm.s32 $0xCE40;
	s17 =	simm.s32 $0x0;
	[smem:$0x7FF] =	sst s2  }
0x6: {  	s3 =	sadd.s32 $0xA00, s5;
	s6 =	sand.u32 $0x1, s4;
	s7 =	sshll.u32 s1, $0x1  }
0x7: {  	s4 =	sadd.s32 $0xF42E00, s5;
	_ =	strace $0x80000047;
	s7 =	sor.u32 s6, s7  }
0x8: {  	s6 =	ssub.s32 $0x2, s6;
	s8 =	sshll.u32 s7, $0xB;
	s10 =	smul.u32 $0x3200, s7  }
0x9: {  	s9 =	sshrl.u32 s6, $0x1;
	s8 =	sadd.s32 s8, s5;
	s5 =	sshll.u32 s7, $0x9  }
0xa: {  	s9 =	ssub.s32 s6, s9;
	s6 =	sadd.s32 s3, s10;
	s7 =	sor.u32 $0x8, s5  }
0xb: {  	s8 =	sadd.s32 $0x64A00, s8;
	s9 =	smax.u32 s9, $0x1;
	s10 =	simm.s32 $0x3  }
.LBB2_1:
0xc: {  	[tilespmem:s2], [sflag:$0x3] =	stream.linear.gather [hbm4b:s6+s2], $0x320, $0x38;
	[tilespmem:$0x10E40] =	vst v63  }
0xd: {  	_ =	swait.ge [sflag:s10], $0x320  }
0xe: {  	[sflag:s10] =	ssyncset.done $0x0  }
0xf: {  	s18 =	simm.s32 $0x0;
	[sflag:s10] =	ssyncadd.s32 $0xFFFFFCE0  }
0x10: {  	[tilespmem:s12], [sflag:$0x1] =	stream.indirect.gather [hbm4b:s4+s11], $0x20, s2, s11, $0xb8;
	[tilespmem:$0x10E40] =	vst v63  }
.LBB2_2:
0x11: {  	s19 =	sshllo.u32 s18, $0x1  }
0x12: {  	s20 =	sshll.u32 s19, $0x2  }
0x13: {  	s20 =	sadd.s32 s5, s20  }
0x14: {  	s20 =	smul.u32 $0x19, s20;
	_ =	sdelay $0x1  }
0x15: {  	s21 =	simm.s32 $0x0;
	s20 =	sadd.s32 s3, s20  }
0x16: {  	[tilespmem:s11], [sflag:$0x3] =	stream.linear.gather [hbm4b:s20+s21], $0x320, $0x38;
	[tilespmem:$0x10E40] =	vst v63  }
0x17: {  	_ =	swait.ge [sflag:s10], $0x320  }
0x18: {  	[sflag:s10] =	ssyncset.done $0x0  }
0x19: {  	[sflag:s10] =	ssyncadd.s32 $0xFFFFFCE0  }
0x1a: {  	[tilespmem:s13], [sflag:$0x2] =	stream.indirect.gather [hbm4b:s4+s11], $0x20, s11, s11, $0xb8;
	[tilespmem:$0x10E40] =	vst v63  }
0x1b: {  	_ =	swait.ge [sflag:s14], $0x6400  }
0x1c: {  	[sflag:s14] =	ssyncset.done $0x0  }
0x1d: {  	s20 =	simm.s32 $0x0;
	[sflag:s14] =	ssyncadd.s32 $0xFFFF9C00  }
0x1e: {  	v4 =	vld [tilespmem:s20+$0x660]  }
0x1f: {  	v5 =	vld [tilespmem:s20+$0x670]  }
0x20: {  	v2 =	vld [tilespmem:s20+$0x1F60]  }
0x21: {  	v3 =	vld [tilespmem:s20+$0x1F70]  }
0x22: {  	v0 =	vld [tilespmem:s20+$0x3860]  }
0x23: {  	v1 =	vld [tilespmem:s20+$0x3870]  }
0x24: {  	v19 =	vld [tilespmem:s20+$0x640]  }
0x25: {  	v20 =	vld [tilespmem:s20+$0x650]  }
0x26: {  	v17 =	vld [tilespmem:s20+$0x1F40]  }
0x27: {  	v18 =	vld [tilespmem:s20+$0x1F50]  }
0x28: {  	v10 =	vimm.f32 $0.0e+00;
	v11 =	vimm.f32 $0.0e+00;
	v16 =	vld [tilespmem:s20+$0x3840]  }
0x29: {  	v13 =	vimm.f32 $0.0e+00;
	v12 =	vimm.f32 $0.0e+00;
	v9 =	vimm.f32 $0.0e+00;
	v14 =	vld [tilespmem:s20+$0x3850]  }
0x2a: {  	v8 =	vimm.f32 $0.0e+00;
	v7 =	vimm.f32 $0.0e+00;
	v6 =	vimm.f32 $0.0e+00;
	s21 =	simm.s32 $0x100;
	v15 =	vld [tilespmem:s20+$0x5140]  }
.LBB2_3:
0x2b: {  	p0 =	sne.s32 s21, $0x6300;
	v10 =	vadd.f32 v19, v10;
	v11 =	vadd.f32 v20, v11;
	v19 =	vld [tilespmem:s20+$0x5150]  }
0x2c: {  	v13 =	vadd.f32 v17, v13;
	v12 =	vadd.f32 v18, v12;
	v17 =	vld [tilespmem:s20+$0x5160]  }
0x2d: {  	v10 =	vadd.f32 v4, v10;
	v11 =	vadd.f32 v5, v11;
	v18 =	vld [tilespmem:s20+$0x5170];
	s20 =	sshra.s32 s21, $0x2  }
0x2e: {  	v13 =	vadd.f32 v2, v13;
	v4 =	vld [tilespmem:s20+$0x660];
	v12 =	vadd.f32 v3, v12  }
0x2f: {  	v9 =	vadd.f32 v16, v9;
	v8 =	vadd.f32 v14, v8;
	v5 =	vld [tilespmem:s20+$0x670]  }
0x30: {  	v7 =	vadd.f32 v15, v7;
	v2 =	vld [tilespmem:s20+$0x1F60];
	v6 =	vadd.f32 v19, v6  }
0x31: {  	v9 =	vadd.f32 v0, v9;
	v8 =	vadd.f32 v1, v8;
	v3 =	vld [tilespmem:s20+$0x1F70]  }
0x32: {  	v7 =	vadd.f32 v17, v7;
	v0 =	vld [tilespmem:s20+$0x3860];
	v6 =	vadd.f32 v18, v6  }
0x33: {  	v1 =	vld [tilespmem:s20+$0x3870]  }
0x34: {  	v19 =	vld [tilespmem:s20+$0x640]  }
0x35: {  	v20 =	vld [tilespmem:s20+$0x650]  }
.Ltmp0:
0x36: {  	v17 =	vld [tilespmem:s20+$0x1F40];
	(pc) =	sbr.rel @p0 .LBB2_3-.Ltmp0, $4  }
0x37: {  	v18 =	vld [tilespmem:s20+$0x1F50]  }
0x38: {  	v16 =	vld [tilespmem:s20+$0x3840]  }
0x39: {  	v14 =	vld [tilespmem:s20+$0x3850]  }
0x3a: {  	s21 =	sadd.s32 $0x100, s21;
	v15 =	vld [tilespmem:s20+$0x5140]  }
0x3b: {  	v10 =	vadd.f32 v19, v10  }
0x3c: {  	v11 =	vadd.f32 v20, v11  }
0x3d: {  	v19 =	vld [tilespmem:s20+$0x5150];
	v13 =	vadd.f32 v17, v13;
	v4 =	vadd.f32 v4, v10  }
0x3e: {  	v10 =	vadd.f32 v18, v12;
	v12 =	vld [tilespmem:s20+$0x5160];
	v5 =	vadd.f32 v5, v11  }
0x3f: {  	s31 =	sshll.u32 s18, $0x8;
	v11 =	vld [tilespmem:s20+$0x5170];
	v2 =	vadd.f32 v2, v13;
	v9 =	vadd.f32 v16, v9;
	v4 =	vmul.f32 $4.999999890e-03, v4  }
0x40: {  	s20 =	sand.u32 $0x3FFFFF00, s31;
	v8 =	vadd.f32 v14, v8;
	v3 =	vadd.f32 v3, v10;
	v5 =	vmul.f32 $4.999999890e-03, v5  }
0x41: {  	v7 =	vadd.f32 v15, v7;
	v0 =	vadd.f32 v0, v9;
	v2 =	vmul.f32 $4.999999890e-03, v2;
	[tilespmem:s20+$0xCE40] =	vst v4  }
0x42: {  	v1 =	vadd.f32 v1, v8;
	v4 =	vadd.f32 v19, v6;
	[tilespmem:s20+$0xCE50] =	vst v5;
	v3 =	vmul.f32 $4.999999890e-03, v3  }
0x43: {  	p0 =	seq.s32 s18, $0x3F;
	[tilespmem:s20+$0xCE60] =	vst v2;
	v0 =	vmul.f32 $4.999999890e-03, v0;
	v5 =	vadd.f32 v12, v7  }
0x44: {  	s21 =	sshll.u32 @!p0 s18, $0x3;
	v1 =	vmul.f32 $4.999999890e-03, v1;
	v2 =	vadd.f32 v11, v4;
	[tilespmem:s20+$0xCE70] =	vst v3  }
0x45: {  	s21 =	sadd.s32 @!p0 s21, s7;
	[tilespmem:s20+$0xCE80] =	vst v0;
	v0 =	vmul.f32 $4.999999890e-03, v5  }
0x46: {  	s21 =	smul.u32 @!p0 $0x19, s21;
	[tilespmem:s20+$0xCE90] =	vst v1;
	v1 =	vmul.f32 $4.999999890e-03, v2  }
0x47: {  	[tilespmem:s20+$0xCEA0] =	vst v0  }
0x48: {  	[tilespmem:s20+$0xCEB0] =	vst v1;
	s20 =	sadd.s32 @!p0 s3, s21;
	s21 =	simm.s32 @!p0 $0x0  }
0x49: {  	[tilespmem:s21], [sflag:$0x3] =	stream.linear.gather @!p0 [hbm4b:s20+s21], $0x320, $0x38;
	[tilespmem:$0x10E40] =	vst v63  }
0x4a: {  	s20 =	simm.s32 @!p0 $0x3  }
0x4b: {  	_ =	swait.ge @!p0 [sflag:s20], $0x320  }
0x4c: {  	[sflag:s20] =	ssyncset.done @!p0 $0x0  }
0x4d: {  	s22 =	simm.s32 @!p0 $0x640;
	[sflag:s20] =	ssyncadd.s32 @!p0 $0xFFFFFCE0;
	s20 =	simm.s32 @!p0 $0x320  }
0x4e: {  	[tilespmem:s22], [sflag:$0x1] =	stream.indirect.gather @!p0 [hbm4b:s4+s20], $0x20, s21, s20, $0xb8;
	[tilespmem:$0x10E40] =	vst v63  }
0x4f: {  	_ =	swait.ge [sflag:s15], $0x6400  }
0x50: {  	[sflag:s15] =	ssyncset.done $0x0  }
0x51: {  	s20 =	simm.s32 $0x0;
	[sflag:s15] =	ssyncadd.s32 $0xFFFF9C00  }
0x52: {  	v4 =	vld [tilespmem:s20+$0x6A60]  }
0x53: {  	v5 =	vld [tilespmem:s20+$0x6A70]  }
0x54: {  	v2 =	vld [tilespmem:s20+$0x8360]  }
0x55: {  	v3 =	vld [tilespmem:s20+$0x8370]  }
0x56: {  	v0 =	vld [tilespmem:s20+$0x9C60]  }
0x57: {  	v1 =	vld [tilespmem:s20+$0x9C70]  }
0x58: {  	v19 =	vld [tilespmem:s20+$0x6A40]  }
0x59: {  	v20 =	vld [tilespmem:s20+$0x6A50]  }
0x5a: {  	v17 =	vld [tilespmem:s20+$0x8340]  }
0x5b: {  	v18 =	vld [tilespmem:s20+$0x8350]  }
0x5c: {  	v13 =	vimm.f32 $0.0e+00;
	v10 =	vimm.f32 $0.0e+00;
	v16 =	vld [tilespmem:s20+$0x9C40]  }
0x5d: {  	v9 =	vimm.f32 $0.0e+00;
	v8 =	vimm.f32 $0.0e+00;
	v6 =	vimm.f32 $0.0e+00;
	v14 =	vld [tilespmem:s20+$0x9C50]  }
0x5e: {  	v12 =	vimm.f32 $0.0e+00;
	v7 =	vimm.f32 $0.0e+00;
	v11 =	vimm.f32 $0.0e+00;
	s21 =	simm.s32 $0x100;
	v15 =	vld [tilespmem:s20+$0xB540]  }
.LBB2_5:
0x5f: {  	p0 =	sne.s32 s21, $0x6300;
	v10 =	vadd.f32 v19, v10;
	v11 =	vadd.f32 v20, v11;
	v19 =	vld [tilespmem:s20+$0xB550]  }
0x60: {  	v13 =	vadd.f32 v17, v13;
	v12 =	vadd.f32 v18, v12;
	v17 =	vld [tilespmem:s20+$0xB560]  }
0x61: {  	v10 =	vadd.f32 v4, v10;
	v11 =	vadd.f32 v5, v11;
	v18 =	vld [tilespmem:s20+$0xB570];
	s20 =	sshra.s32 s21, $0x2  }
0x62: {  	v13 =	vadd.f32 v2, v13;
	v4 =	vld [tilespmem:s20+$0x6A60];
	v12 =	vadd.f32 v3, v12  }
0x63: {  	v9 =	vadd.f32 v16, v9;
	v8 =	vadd.f32 v14, v8;
	v5 =	vld [tilespmem:s20+$0x6A70]  }
0x64: {  	v7 =	vadd.f32 v15, v7;
	v2 =	vld [tilespmem:s20+$0x8360];
	v6 =	vadd.f32 v19, v6  }
0x65: {  	v9 =	vadd.f32 v0, v9;
	v8 =	vadd.f32 v1, v8;
	v3 =	vld [tilespmem:s20+$0x8370]  }
0x66: {  	v7 =	vadd.f32 v17, v7;
	v0 =	vld [tilespmem:s20+$0x9C60];
	v6 =	vadd.f32 v18, v6  }
0x67: {  	v1 =	vld [tilespmem:s20+$0x9C70]  }
0x68: {  	v19 =	vld [tilespmem:s20+$0x6A40]  }
0x69: {  	v20 =	vld [tilespmem:s20+$0x6A50]  }
.Ltmp1:
0x6a: {  	v17 =	vld [tilespmem:s20+$0x8340];
	(pc) =	sbr.rel @p0 .LBB2_5-.Ltmp1, $4  }
0x6b: {  	v18 =	vld [tilespmem:s20+$0x8350]  }
0x6c: {  	v16 =	vld [tilespmem:s20+$0x9C40]  }
0x6d: {  	v14 =	vld [tilespmem:s20+$0x9C50]  }
0x6e: {  	s21 =	sadd.s32 $0x100, s21;
	v15 =	vld [tilespmem:s20+$0xB540]  }
0x6f: {  	v10 =	vadd.f32 v19, v10  }
0x70: {  	v11 =	vadd.f32 v20, v11  }
0x71: {  	v55 =	vld [tilespmem:s20+$0xB550];
	v13 =	vadd.f32 v17, v13;
	v4 =	vadd.f32 v4, v10  }
0x72: {  	v57 =	vld [tilespmem:s20+$0xB560];
	v56 =	vadd.f32 v18, v12;
	v5 =	vadd.f32 v5, v11  }
0x73: {  	v58 =	vld [tilespmem:s20+$0xB570];
	s19 =	sshll.u32 s19, $0x7;
	v2 =	vadd.f32 v2, v13;
	v9 =	vadd.f32 v16, v9;
	v4 =	vmul.f32 $4.999999890e-03, v4  }
0x74: {  	s19 =	sand.u32 $0x3FFFFF80, s19;
	v3 =	vadd.f32 v3, v56;
	v8 =	vadd.f32 v14, v8;
	v5 =	vmul.f32 $4.999999890e-03, v5  }
0x75: {  	v7 =	vadd.f32 v15, v7;
	v0 =	vadd.f32 v0, v9;
	v2 =	vmul.f32 $4.999999890e-03, v2;
	[tilespmem:s19+$0xCE40] =	vst v4  }
0x76: {  	s18 =	sadd.s32 $0x1, s18;
	v59 =	vadd.f32 v55, v6;
	v1 =	vadd.f32 v1, v8;
	v3 =	vmul.f32 $4.999999890e-03, v3;
	[tilespmem:s19+$0xCE50] =	vst v5  }
0x77: {  	p0 =	sne.s32 s18, $0x40;
	v60 =	vadd.f32 v57, v7;
	[tilespmem:s19+$0xCE60] =	vst v2;
	v0 =	vmul.f32 $4.999999890e-03, v0  }
.Ltmp2:
0x78: {  	v61 =	vadd.f32 v58, v59;
	[tilespmem:s19+$0xCE70] =	vst v3;
	v1 =	vmul.f32 $4.999999890e-03, v1;
	(pc) =	sbr.rel @p0 .LBB2_2-.Ltmp2, $4  }
0x79: {  	[tilespmem:s19+$0xCE80] =	vst v0;
	v62 =	vmul.f32 $4.999999890e-03, v60  }
0x7a: {  	[tilespmem:s19+$0xCE90] =	vst v1;
	v63 =	vmul.f32 $4.999999890e-03, v61  }
0x7b: {  	[tilespmem:s19+$0xCEA0] =	vst v62  }
0x7c: {  	[tilespmem:s19+$0xCEB0] =	vst v63  }
0x7d: {  	s17 =	sadd.s32 $0x1, s17  }
0x7e: {  	p0 =	sne.s32 s17, s9  }
.Ltmp3:
0x7f: {  	_ = 	snop;
	(pc) =	sbr.rel @p0 .LBB2_1-.Ltmp3, $4  }
0x80: {  	[hbm4b:s8+s2] =	stream.linear.scatter [tilespmem:s16], [sflag:$0x3], $0x4000, $0x38;
	[tilespmem:$0x10E40] =	vst v63  }
0x81: {  	_ =	swait.ge [sflag:s10], $0x4000  }
0x82: {  	[sflag:s10] =	ssyncset.done $0x0  }
0x83: {  	[sflag:s10] =	ssyncadd.s32 $0xFFFFC000  }
0x84: {  	_ =	sfence.sel $0x180000  }
0x85: {  	[bflag:$0x0] =	sbarrier.arrive $0xFFFF  }
0x86: {  	p0 =	sne.s32 s1, $0x0;
	_ =	strace $0x90000047  }
0x87: {  	s0 =	sadd.s32 @!p0 $0x100000, s0;
	[bflag:$0x2] =	sbarrier.arrive $0xFFFF  }
0x88: {  	[sflag:s0] =	ssyncadd.tile.s32 @!p0 $0x1;
	_ =	shalt  }
.Lfunc_end2:
_tile_overlayer_lowered:
.L_overlay_start_2:
0x89: {  	(tag) =	ssettag $0x2  }
0x8a: {  	s0 =	rddreg [dreg:$0x0];
	s2 =	stileid.u32  }
0x8b: {  	s1 =	rddreg [dreg:$0x1];
	p0 =	sne.s32 s2, $0x0  }
0x8c: {  	s3 =	rddreg [dreg:$0x2];
	[bflag:$0x3] =	sbarrier.arrive $0xFFFF;
	s2 =	simm.s32 @!p0 $0x1C03  }
0x8d: {  	[timem:s3], [sflag:s2] =	dma.local @!p0 [hbm:s0], s1  }
0x8e: {  	s0 =	simm.s32 @!p0 $0x3  }
0x8f: {  	_ =	swait.ge @!p0 [sflag:s0], s1  }
0x90: {  	s1 =	ssub.s32 @!p0 $0x0, s1;
	[sflag:s0] =	ssyncset.done @!p0 $0x0  }
0x91: {  	[sflag:s0] =	ssyncadd.s32 @!p0 s1  }
0x92: {  	[bflag:$0x3] =	sbarrier.arrive $0xFFFF  }
0x93: {  	_ =	shalt  }

</sc_bundles>
